<compile_context>
chip_gen: v7x
topology: tpu7x:2x2x1
jax: 0.10.2.dev20260603
libtpu: 0.0.44.dev20260713+nightly
codegen_flags: <defaults>
</compile_context>

<pallas_src>
import functools

import jax
import jax.numpy as jnp
from jax import lax
from jax.experimental import pallas as pl
from jax.experimental.pallas import tpu as pltpu
from jax.experimental.pallas import tpu_sc as plsc

_NC = 2
_NS = 16
_L = 16
_NW = _NC * _NS
_K = 80


def _rsqrt16(a):
    ai = lax.bitcast_convert_type(a, jnp.int32)
    yi = jnp.int32(0x5F3759DF) - lax.shift_right_logical(ai, 1)
    y = lax.bitcast_convert_type(yi, jnp.float32)
    half, thalf = jnp.float32(0.5), jnp.float32(1.5)
    for _ in range(3):
        y = y * (thalf - half * a * y * y)
    return y


def _sc_cos_partials(orig_flat, pert_flat, table):
    T = orig_flat.shape[0]
    D = table.shape[1]
    tpw = T // _NW
    nchunk = tpw // _K

    mesh = plsc.VectorSubcoreMesh(core_axis_name="c", subcore_axis_name="s")

    @functools.partial(
        pl.kernel,
        mesh=mesh,
        compiler_params=pltpu.CompilerParams(needs_layout_passes=False),
        out_type=jax.ShapeDtypeStruct((_NW, _L), jnp.float32),
        scratch_types=[
            pltpu.VMEM((tpw,), jnp.int32),
            pltpu.VMEM((tpw,), jnp.int32),
            pltpu.VMEM((_K, D), jnp.float32),
            pltpu.VMEM((_K, D), jnp.float32),
            pltpu.VMEM((_K, D), jnp.float32),
            pltpu.VMEM((_K, D), jnp.float32),
            pltpu.VMEM((_K, D), jnp.float32),
            pltpu.VMEM((_K, D), jnp.float32),
            pltpu.VMEM((_K, D), jnp.float32),
            pltpu.VMEM((_K, D), jnp.float32),
            pltpu.VMEM((_K, D), jnp.float32),
            pltpu.VMEM((_K, D), jnp.float32),
            pltpu.VMEM((_L,), jnp.float32),
            pltpu.SemaphoreType.DMA,
            pltpu.SemaphoreType.DMA,
            pltpu.SemaphoreType.DMA,
            pltpu.SemaphoreType.DMA,
            pltpu.SemaphoreType.DMA,
        ],
    )
    def k(orig_hbm, pert_hbm, table_hbm, out_hbm,
          idx_o, idx_p, ro0, ro1, ro2, ro3, ro4, rp0, rp1, rp2, rp3, rp4,
          ostage, sem0, sem1, sem2, sem3, sem4):
        wid = lax.axis_index("s") * _NC + lax.axis_index("c")
        base = wid * tpw
        pltpu.sync_copy(orig_hbm.at[pl.ds(base, tpw)], idx_o)
        pltpu.sync_copy(pert_hbm.at[pl.ds(base, tpw)], idx_p)

        slots = ((ro0, rp0, sem0), (ro1, rp1, sem1), (ro2, rp2, sem2),
                 (ro3, rp3, sem3), (ro4, rp4, sem4))

        def start(slot, c):
            robuf, rpbuf, sem = slots[slot]
            pltpu.async_copy(table_hbm.at[idx_o.at[pl.ds(c * _K, _K)]], robuf, sem)
            pltpu.async_copy(table_hbm.at[idx_p.at[pl.ds(c * _K, _K)]], rpbuf, sem)

        def wait(slot, c):
            robuf, rpbuf, sem = slots[slot]
            pltpu.make_async_copy(
                table_hbm.at[idx_o.at[pl.ds(c * _K, _K)]], robuf, sem).wait()
            pltpu.make_async_copy(
                table_hbm.at[idx_p.at[pl.ds(c * _K, _K)]], rpbuf, sem).wait()

        zero = jnp.zeros((_L,), jnp.float32)

        lane_ids = lax.iota(jnp.int32, _L)

        def compute(slot, acc):
            robuf, rpbuf, _ = slots[slot]

            def gstep(g, acc):
                def tstep(t, carry):
                    dotp, no2p, np2p = carry
                    tok = g * _L + t
                    dotv, no2v, np2v = zero, zero, zero
                    for d in range(D // _L):
                        ov = robuf[tok, pl.ds(d * _L, _L)]
                        pv = rpbuf[tok, pl.ds(d * _L, _L)]
                        dotv = dotv + ov * pv
                        no2v = no2v + ov * ov
                        np2v = np2v + pv * pv
                    lane = lane_ids == t
                    dotp = jnp.where(lane, jnp.sum(dotv), dotp)
                    no2p = jnp.where(lane, jnp.sum(no2v), no2p)
                    np2p = jnp.where(lane, jnp.sum(np2v), np2p)
                    return dotp, no2p, np2p

                dotp, no2p, np2p = lax.fori_loop(0, _L, tstep, (zero, zero, zero))
                return acc + dotp * _rsqrt16(no2p * np2p)

            return lax.fori_loop(0, _K // _L, gstep, acc)

        start(0, 0)
        start(1, 1)
        start(2, 2)
        start(3, 3)
        start(4, 4)

        nmain = (nchunk // 5) * 5

        def body(i, acc):
            c0 = 5 * i
            for s in range(5):
                wait(s, c0 + s)
                acc = compute(s, acc)

                @pl.when(c0 + s + 5 < nchunk)
                def _():
                    start(s, c0 + s + 5)

            return acc

        acc = lax.fori_loop(0, nmain // 5, body, zero)
        for c in range(nmain, nchunk):
            wait(c % 5, c)
            acc = compute(c % 5, acc)
        ostage[...] = acc
        pltpu.sync_copy(ostage, out_hbm.at[wid])

    return k(orig_flat, pert_flat, table)


def _tc_finalize_body(part_ref, pred_ref, lab_ref, syn_ref,
                      loss_ref, adv_ref, cos_ref, synl_ref, *, T, B):
    kappa = jnp.float32(5.0)
    cos_loss = jnp.sum(part_ref[...]) / jnp.float32(T)

    p = pred_ref[...]
    l = lab_ref[...]
    take0 = l[:, 0:1] >= l[:, 1:2]
    diff = jnp.where(take0, p[:, 0:1] - p[:, 1:2], p[:, 1:2] - p[:, 0:1])
    adv = jnp.sum(jnp.maximum(diff + kappa, jnp.float32(0.0))) / jnp.float32(B)

    row_sums = jnp.sum(syn_ref[...], axis=1, keepdims=True)
    m = jnp.sum(row_sums) / jnp.float32(B)
    synl = (m - jnp.float32(50.0)) ** 2 + jnp.float32(1.0)

    loss_ref[0, 0] = adv - cos_loss + synl
    adv_ref[0, 0] = adv
    cos_ref[0, 0] = cos_loss
    synl_ref[0, 0] = synl


def kernel(synonym_outputs, predictions, labels,
           original_sentence, perturbed_sentence, embedding_table):
    B, S = original_sentence.shape
    T = B * S

    orig_flat = original_sentence.reshape(-1)
    pert_flat = perturbed_sentence.reshape(-1)

    partials = _sc_cos_partials(orig_flat, pert_flat, embedding_table)

    scalar = jax.ShapeDtypeStruct((1, 1), jnp.float32)
    smem = pl.BlockSpec(memory_space=pltpu.SMEM)
    loss, adv, cos, synl = pl.pallas_call(
        functools.partial(_tc_finalize_body, T=T, B=B),
        out_shape=(scalar, scalar, scalar, scalar),
        out_specs=(smem, smem, smem, smem),
    )(partials, predictions, labels, synonym_outputs)

    return (loss[0, 0], adv[0, 0], cos[0, 0], synl[0, 0])

# --- scband reference (transcript-rebuilt; emitter-appended) ---
"""Pipeline reference for scband-adversarial-loss-27642409517643 (READ-ONLY COPY).

The authoritative reference and input builder live on the scoring server;
editing this copy changes nothing except your own understanding.
"""

import jax, jax.numpy as jnp
import numpy as np


def setup_inputs(seed: int = 0) -> dict:
    key = jax.random.key(seed)
    k1, k2, k3, k4, k5, k6 = jax.random.split(key, 6)
    B, S, V, D, C = 1024, 200, 100000, 128, 2
    return {
        "synonym_outputs": jax.random.uniform(k1, (B, S), dtype=jnp.float32),
        "predictions": jax.random.normal(k2, (B, C), dtype=jnp.float32),
        "labels": jax.random.uniform(k3, (B, C), dtype=jnp.float32),
        "original_sentence": jax.random.randint(k4, (B, S), 0, V, dtype=jnp.int32),
        "perturbed_sentence": jax.random.randint(k5, (B, S), 0, V, dtype=jnp.int32),
        "embedding_table": jax.random.normal(k6, (V, D), dtype=jnp.float32),
    }


def reference(synonym_outputs, predictions, labels, original_sentence, perturbed_sentence, embedding_table):
    kappa = 5.0
    adversarial_coeff, cosine_similarity_coeff, sum_coeff = 1.0, 1.0, 1.0

    # adversarial_loss
    B = predictions.shape[0]
    rows = jnp.arange(B)
    label_indices = jnp.argmax(labels, axis=1)
    correct_probabilities = predictions[rows, label_indices]
    incorrect_probabilities = predictions.at[rows, label_indices].set(-jnp.inf)
    max_incorrect_prob = jnp.max(incorrect_probabilities, axis=1)
    adv_loss = jnp.mean(jnp.clip(correct_probabilities - max_incorrect_prob + kappa, 0.0)) * adversarial_coeff

    # cosine_similarity (model.embedding replaced by embedding_table lookup)
    original_embeds = jnp.take(embedding_table, original_sentence, axis=0)
    perturbed_embeds = jnp.take(embedding_table, perturbed_sentence, axis=0)
    original_norms = jnp.linalg.norm(original_embeds, axis=-1)
    perturbed_norms = jnp.linalg.norm(perturbed_embeds, axis=-1)
    similarities = jnp.einsum('ijk,ijk->ij', original_embeds, perturbed_embeds)
    cosine_similarities = similarities / (original_norms * perturbed_norms)
    cosine_similarity_loss = jnp.mean(cosine_similarities) * cosine_similarity_coeff

    # synonym_output_sum_loss
    x = jnp.sum(synonym_outputs, axis=1)
    synonym_output_loss = ((jnp.mean(x) - 50.0) ** 2 + 1.0) * sum_coeff

    loss = adv_loss - cosine_similarity_loss + synonym_output_loss
    return (loss, adv_loss, cosine_similarity_loss, synonym_output_loss)

if __name__ == "__main__":
    import jax
    _d = setup_inputs()
    print(jax.jit(kernel)(*tuple(_d.values())))

</pallas_src>

<mosaic_0001>
#map = affine_map<(d0, d1) -> (0)>
#map1 = affine_map<(d0, d1) -> (0, 0)>
module attributes {stable_mosaic.version = 14 : i64} {
  func.func @k(%arg0: i32, %arg1: i32, %arg2: memref<204800xi32, #tpu.memory_space<hbm>>, %arg3: memref<204800xi32, #tpu.memory_space<hbm>>, %arg4: memref<100000x128xf32, #tpu.memory_space<hbm>>, %arg5: memref<32x16xf32, #tpu.memory_space<hbm>>, %arg6: memref<6400xi32, #tpu.memory_space<vmem>>, %arg7: memref<6400xi32, #tpu.memory_space<vmem>>, %arg8: memref<80x128xf32, #tpu.memory_space<vmem>>, %arg9: memref<80x128xf32, #tpu.memory_space<vmem>>, %arg10: memref<80x128xf32, #tpu.memory_space<vmem>>, %arg11: memref<80x128xf32, #tpu.memory_space<vmem>>, %arg12: memref<80x128xf32, #tpu.memory_space<vmem>>, %arg13: memref<80x128xf32, #tpu.memory_space<vmem>>, %arg14: memref<80x128xf32, #tpu.memory_space<vmem>>, %arg15: memref<80x128xf32, #tpu.memory_space<vmem>>, %arg16: memref<80x128xf32, #tpu.memory_space<vmem>>, %arg17: memref<80x128xf32, #tpu.memory_space<vmem>>, %arg18: memref<16xf32, #tpu.memory_space<vmem>>, %arg19: memref<!tpu.dma_semaphore, #tpu.memory_space<semaphore_mem>>, %arg20: memref<!tpu.dma_semaphore, #tpu.memory_space<semaphore_mem>>, %arg21: memref<!tpu.dma_semaphore, #tpu.memory_space<semaphore_mem>>, %arg22: memref<!tpu.dma_semaphore, #tpu.memory_space<semaphore_mem>>, %arg23: memref<!tpu.dma_semaphore, #tpu.memory_space<semaphore_mem>>) attributes {dimension_semantics = [#tpu.dimension_semantics<core_parallel>, #tpu.dimension_semantics<subcore_parallel>], iteration_bounds = array<i64: 2, 16>, scalar_prefetch = 0 : i64, scratch_operands = 18 : i64, tpu.core_type = #tpu.core_type<sc_vector_subcore>, window_params = [{transform_indices = #map}, {transform_indices = #map}, {transform_indices = #map1}, {transform_indices = #map1}]} {
    %mul3A = arith.constant 2 : i32
    %mul3A_0 = arith.muli %arg1, %mul3A : i32
    %add3A = arith.addi %mul3A_0, %arg0 : i32
    %mul3A_1 = arith.constant 6400 : i32
    %mul3A_2 = arith.muli %add3A, %mul3A_1 : i32
    "tpu.region"() ({
      %run_scoped3A = tpu.sem_alloc : memref<!tpu.dma_semaphore, #tpu.memory_space<semaphore_mem>>
      %dma_start3A_59 = tpu.memref_slice %arg2[%mul3A_2] : memref<204800xi32, #tpu.memory_space<hbm>> -> memref<6400xi32, #tpu.memory_space<hbm>>
      %dma_start3A_60 = tpu.memref_slice %arg2[%mul3A_2] : memref<204800xi32, #tpu.memory_space<hbm>> -> memref<6400xi32, #tpu.memory_space<hbm>>
      tpu.enqueue_dma source(%dma_start3A_60 : memref<6400xi32, #tpu.memory_space<hbm>>) target(%arg6 : memref<6400xi32, #tpu.memory_space<vmem>>) target_semaphore(%run_scoped3A : memref<!tpu.dma_semaphore, #tpu.memory_space<semaphore_mem>>)
      %dma_wait3A = tpu.memref_slice %arg2[%mul3A_2] : memref<204800xi32, #tpu.memory_space<hbm>> -> memref<6400xi32, #tpu.memory_space<hbm>>
      %dma_wait3A_61 = tpu.memref_slice %arg2[%mul3A_2] : memref<204800xi32, #tpu.memory_space<hbm>> -> memref<6400xi32, #tpu.memory_space<hbm>>
      tpu.wait_dma2 semaphore(%run_scoped3A : memref<!tpu.dma_semaphore, #tpu.memory_space<semaphore_mem>>) src(%dma_wait3A_61 : memref<6400xi32, #tpu.memory_space<hbm>>) dst(%arg6 : memref<6400xi32, #tpu.memory_space<vmem>>)
      tpu.yield
    }) : () -> ()
    "tpu.region"() ({
      %run_scoped3A = tpu.sem_alloc : memref<!tpu.dma_semaphore, #tpu.memory_space<semaphore_mem>>
      %dma_start3A_59 = tpu.memref_slice %arg3[%mul3A_2] : memref<204800xi32, #tpu.memory_space<hbm>> -> memref<6400xi32, #tpu.memory_space<hbm>>
      %dma_start3A_60 = tpu.memref_slice %arg3[%mul3A_2] : memref<204800xi32, #tpu.memory_space<hbm>> -> memref<6400xi32, #tpu.memory_space<hbm>>
      tpu.enqueue_dma source(%dma_start3A_60 : memref<6400xi32, #tpu.memory_space<hbm>>) target(%arg7 : memref<6400xi32, #tpu.memory_space<vmem>>) target_semaphore(%run_scoped3A : memref<!tpu.dma_semaphore, #tpu.memory_space<semaphore_mem>>)
      %dma_wait3A = tpu.memref_slice %arg3[%mul3A_2] : memref<204800xi32, #tpu.memory_space<hbm>> -> memref<6400xi32, #tpu.memory_space<hbm>>
      %dma_wait3A_61 = tpu.memref_slice %arg3[%mul3A_2] : memref<204800xi32, #tpu.memory_space<hbm>> -> memref<6400xi32, #tpu.memory_space<hbm>>
      tpu.wait_dma2 semaphore(%run_scoped3A : memref<!tpu.dma_semaphore, #tpu.memory_space<semaphore_mem>>) src(%dma_wait3A_61 : memref<6400xi32, #tpu.memory_space<hbm>>) dst(%arg7 : memref<6400xi32, #tpu.memory_space<vmem>>)
      tpu.yield
    }) : () -> ()
    %broadcast_in_dim3A = arith.constant 0.000000e+00 : f32
    %broadcast_in_dim3A_3 = vector.broadcast %broadcast_in_dim3A : f32 to vector<16xf32>
    %iota3A = tpu.iota {dimensions = array<i32: 0>} : vector<16xi32>
    %dma_start3A = arith.constant 0 : i32
    %dma_start3A_4 = tpu.memref_slice %arg6[%dma_start3A] : memref<6400xi32, #tpu.memory_space<vmem>> -> memref<80xi32, #tpu.memory_space<vmem>>
    %dma_start3A_5 = arith.constant 0 : i32
    %dma_start3A_6 = arith.constant 0 : i32
    %dma_start3A_7 = tpu.memref_slice %arg4[%dma_start3A_5, %dma_start3A_6] : memref<100000x128xf32, #tpu.memory_space<hbm>> -> memref<100000x128xf32, #tpu.memory_space<hbm>>
    tpu.enqueue_indirect_dma source(%dma_start3A_7 : memref<100000x128xf32, #tpu.memory_space<hbm>>) target(%arg8 : memref<80x128xf32, #tpu.memory_space<vmem>>) offsets(%dma_start3A_4 : memref<80xi32, #tpu.memory_space<vmem>>) semaphore(%arg19 : memref<!tpu.dma_semaphore, #tpu.memory_space<semaphore_mem>>)
    %dma_start3A_8 = arith.constant 0 : i32
    %dma_start3A_9 = tpu.memref_slice %arg7[%dma_start3A_8] : memref<6400xi32, #tpu.memory_space<vmem>> -> memref<80xi32, #tpu.memory_space<vmem>>
    %dma_start3A_10 = arith.constant 0 : i32
    %dma_start3A_11 = arith.constant 0 : i32
    %dma_start3A_12 = tpu.memref_slice %arg4[%dma_start3A_10, %dma_start3A_11] : memref<100000x128xf32, #tpu.memory_space<hbm>> -> memref<100000x128xf32, #tpu.memory_space<hbm>>
    tpu.enqueue_indirect_dma source(%dma_start3A_12 : memref<100000x128xf32, #tpu.memory_space<hbm>>) target(%arg13 : memref<80x128xf32, #tpu.memory_space<vmem>>) offsets(%dma_start3A_9 : memref<80xi32, #tpu.memory_space<vmem>>) semaphore(%arg19 : memref<!tpu.dma_semaphore, #tpu.memory_space<semaphore_mem>>)
    %dma_start3A_13 = arith.constant 80 : i32
    %dma_start3A_14 = tpu.memref_slice %arg6[%dma_start3A_13] : memref<6400xi32, #tpu.memory_space<vmem>> -> memref<80xi32, #tpu.memory_space<vmem>>
    %dma_start3A_15 = arith.constant 0 : i32
    %dma_start3A_16 = arith.constant 0 : i32
    %dma_start3A_17 = tpu.memref_slice %arg4[%dma_start3A_15, %dma_start3A_16] : memref<100000x128xf32, #tpu.memory_space<hbm>> -> memref<100000x128xf32, #tpu.memory_space<hbm>>
    tpu.enqueue_indirect_dma source(%dma_start3A_17 : memref<100000x128xf32, #tpu.memory_space<hbm>>) target(%arg9 : memref<80x128xf32, #tpu.memory_space<vmem>>) offsets(%dma_start3A_14 : memref<80xi32, #tpu.memory_space<vmem>>) semaphore(%arg20 : memref<!tpu.dma_semaphore, #tpu.memory_space<semaphore_mem>>)
    %dma_start3A_18 = arith.constant 80 : i32
    %dma_start3A_19 = tpu.memref_slice %arg7[%dma_start3A_18] : memref<6400xi32, #tpu.memory_space<vmem>> -> memref<80xi32, #tpu.memory_space<vmem>>
    %dma_start3A_20 = arith.constant 0 : i32
    %dma_start3A_21 = arith.constant 0 : i32
    %dma_start3A_22 = tpu.memref_slice %arg4[%dma_start3A_20, %dma_start3A_21] : memref<100000x128xf32, #tpu.memory_space<hbm>> -> memref<100000x128xf32, #tpu.memory_space<hbm>>
    tpu.enqueue_indirect_dma source(%dma_start3A_22 : memref<100000x128xf32, #tpu.memory_space<hbm>>) target(%arg14 : memref<80x128xf32, #tpu.memory_space<vmem>>) offsets(%dma_start3A_19 : memref<80xi32, #tpu.memory_space<vmem>>) semaphore(%arg20 : memref<!tpu.dma_semaphore, #tpu.memory_space<semaphore_mem>>)
    %dma_start3A_23 = arith.constant 160 : i32
    %dma_start3A_24 = tpu.memref_slice %arg6[%dma_start3A_23] : memref<6400xi32, #tpu.memory_space<vmem>> -> memref<80xi32, #tpu.memory_space<vmem>>
    %dma_start3A_25 = arith.constant 0 : i32
    %dma_start3A_26 = arith.constant 0 : i32
    %dma_start3A_27 = tpu.memref_slice %arg4[%dma_start3A_25, %dma_start3A_26] : memref<100000x128xf32, #tpu.memory_space<hbm>> -> memref<100000x128xf32, #tpu.memory_space<hbm>>
    tpu.enqueue_indirect_dma source(%dma_start3A_27 : memref<100000x128xf32, #tpu.memory_space<hbm>>) target(%arg10 : memref<80x128xf32, #tpu.memory_space<vmem>>) offsets(%dma_start3A_24 : memref<80xi32, #tpu.memory_space<vmem>>) semaphore(%arg21 : memref<!tpu.dma_semaphore, #tpu.memory_space<semaphore_mem>>)
    %dma_start3A_28 = arith.constant 160 : i32
    %dma_start3A_29 = tpu.memref_slice %arg7[%dma_start3A_28] : memref<6400xi32, #tpu.memory_space<vmem>> -> memref<80xi32, #tpu.memory_space<vmem>>
    %dma_start3A_30 = arith.constant 0 : i32
    %dma_start3A_31 = arith.constant 0 : i32
    %dma_start3A_32 = tpu.memref_slice %arg4[%dma_start3A_30, %dma_start3A_31] : memref<100000x128xf32, #tpu.memory_space<hbm>> -> memref<100000x128xf32, #tpu.memory_space<hbm>>
    tpu.enqueue_indirect_dma source(%dma_start3A_32 : memref<100000x128xf32, #tpu.memory_space<hbm>>) target(%arg15 : memref<80x128xf32, #tpu.memory_space<vmem>>) offsets(%dma_start3A_29 : memref<80xi32, #tpu.memory_space<vmem>>) semaphore(%arg21 : memref<!tpu.dma_semaphore, #tpu.memory_space<semaphore_mem>>)
    %dma_start3A_33 = arith.constant 240 : i32
    %dma_start3A_34 = tpu.memref_slice %arg6[%dma_start3A_33] : memref<6400xi32, #tpu.memory_space<vmem>> -> memref<80xi32, #tpu.memory_space<vmem>>
    %dma_start3A_35 = arith.constant 0 : i32
    %dma_start3A_36 = arith.constant 0 : i32
    %dma_start3A_37 = tpu.memref_slice %arg4[%dma_start3A_35, %dma_start3A_36] : memref<100000x128xf32, #tpu.memory_space<hbm>> -> memref<100000x128xf32, #tpu.memory_space<hbm>>
    tpu.enqueue_indirect_dma source(%dma_start3A_37 : memref<100000x128xf32, #tpu.memory_space<hbm>>) target(%arg11 : memref<80x128xf32, #tpu.memory_space<vmem>>) offsets(%dma_start3A_34 : memref<80xi32, #tpu.memory_space<vmem>>) semaphore(%arg22 : memref<!tpu.dma_semaphore, #tpu.memory_space<semaphore_mem>>)
    %dma_start3A_38 = arith.constant 240 : i32
    %dma_start3A_39 = tpu.memref_slice %arg7[%dma_start3A_38] : memref<6400xi32, #tpu.memory_space<vmem>> -> memref<80xi32, #tpu.memory_space<vmem>>
    %dma_start3A_40 = arith.constant 0 : i32
    %dma_start3A_41 = arith.constant 0 : i32
    %dma_start3A_42 = tpu.memref_slice %arg4[%dma_start3A_40, %dma_start3A_41] : memref<100000x128xf32, #tpu.memory_space<hbm>> -> memref<100000x128xf32, #tpu.memory_space<hbm>>
    tpu.enqueue_indirect_dma source(%dma_start3A_42 : memref<100000x128xf32, #tpu.memory_space<hbm>>) target(%arg16 : memref<80x128xf32, #tpu.memory_space<vmem>>) offsets(%dma_start3A_39 : memref<80xi32, #tpu.memory_space<vmem>>) semaphore(%arg22 : memref<!tpu.dma_semaphore, #tpu.memory_space<semaphore_mem>>)
    %dma_start3A_43 = arith.constant 320 : i32
    %dma_start3A_44 = tpu.memref_slice %arg6[%dma_start3A_43] : memref<6400xi32, #tpu.memory_space<vmem>> -> memref<80xi32, #tpu.memory_space<vmem>>
    %dma_start3A_45 = arith.constant 0 : i32
    %dma_start3A_46 = arith.constant 0 : i32
    %dma_start3A_47 = tpu.memref_slice %arg4[%dma_start3A_45, %dma_start3A_46] : memref<100000x128xf32, #tpu.memory_space<hbm>> -> memref<100000x128xf32, #tpu.memory_space<hbm>>
    tpu.enqueue_indirect_dma source(%dma_start3A_47 : memref<100000x128xf32, #tpu.memory_space<hbm>>) target(%arg12 : memref<80x128xf32, #tpu.memory_space<vmem>>) offsets(%dma_start3A_44 : memref<80xi32, #tpu.memory_space<vmem>>) semaphore(%arg23 : memref<!tpu.dma_semaphore, #tpu.memory_space<semaphore_mem>>)
    %dma_start3A_48 = arith.constant 320 : i32
    %dma_start3A_49 = tpu.memref_slice %arg7[%dma_start3A_48] : memref<6400xi32, #tpu.memory_space<vmem>> -> memref<80xi32, #tpu.memory_space<vmem>>
    %dma_start3A_50 = arith.constant 0 : i32
    %dma_start3A_51 = arith.constant 0 : i32
    %dma_start3A_52 = tpu.memref_slice %arg4[%dma_start3A_50, %dma_start3A_51] : memref<100000x128xf32, #tpu.memory_space<hbm>> -> memref<100000x128xf32, #tpu.memory_space<hbm>>
    tpu.enqueue_indirect_dma source(%dma_start3A_52 : memref<100000x128xf32, #tpu.memory_space<hbm>>) target(%arg17 : memref<80x128xf32, #tpu.memory_space<vmem>>) offsets(%dma_start3A_49 : memref<80xi32, #tpu.memory_space<vmem>>) semaphore(%arg23 : memref<!tpu.dma_semaphore, #tpu.memory_space<semaphore_mem>>)
    %scan3A = arith.constant 0 : i32
    %scan3A_53 = arith.constant 16 : i32
    %scan3A_54 = arith.addi %scan3A, %scan3A_53 : i32
    %scan3A_55 = arith.constant 1 : i32
    %scan3A_56 = scf.for %scan3A_59 = %scan3A to %scan3A_54 step %scan3A_55 iter_args(%scan3A_60 = %broadcast_in_dim3A_3) -> (vector<16xf32>)  : i32 {
      %mul3A_61 = arith.constant 5 : i32
      %mul3A_62 = arith.muli %mul3A_61, %scan3A_59 : i32
      %add3A_63 = arith.constant 0 : i32
      %add3A_64 = arith.addi %mul3A_62, %add3A_63 : i32
      %mul3A_65 = arith.constant 80 : i32
      %mul3A_66 = arith.muli %add3A_64, %mul3A_65 : i32
      %dma_wait3A = tpu.memref_slice %arg6[%mul3A_66] : memref<6400xi32, #tpu.memory_space<vmem>> -> memref<80xi32, #tpu.memory_space<vmem>>
      %dma_wait3A_67 = arith.constant 0 : i32
      %dma_wait3A_68 = arith.constant 0 : i32
      %dma_wait3A_69 = tpu.memref_slice %arg4[%dma_wait3A_67, %dma_wait3A_68] : memref<100000x128xf32, #tpu.memory_space<hbm>> -> memref<100000x128xf32, #tpu.memory_space<hbm>>
      tpu.wait_indirect_dma semaphore(%arg19 : memref<!tpu.dma_semaphore, #tpu.memory_space<semaphore_mem>>) src(%dma_wait3A_69 : memref<100000x128xf32, #tpu.memory_space<hbm>>) dst(%arg8 : memref<80x128xf32, #tpu.memory_space<vmem>>)
      %mul3A_70 = arith.constant 80 : i32
      %mul3A_71 = arith.muli %add3A_64, %mul3A_70 : i32
      %dma_wait3A_72 = tpu.memref_slice %arg7[%mul3A_71] : memref<6400xi32, #tpu.memory_space<vmem>> -> memref<80xi32, #tpu.memory_space<vmem>>
      %dma_wait3A_73 = arith.constant 0 : i32
      %dma_wait3A_74 = arith.constant 0 : i32
      %dma_wait3A_75 = tpu.memref_slice %arg4[%dma_wait3A_73, %dma_wait3A_74] : memref<100000x128xf32, #tpu.memory_space<hbm>> -> memref<100000x128xf32, #tpu.memory_space<hbm>>
      tpu.wait_indirect_dma semaphore(%arg19 : memref<!tpu.dma_semaphore, #tpu.memory_space<semaphore_mem>>) src(%dma_wait3A_75 : memref<100000x128xf32, #tpu.memory_space<hbm>>) dst(%arg13 : memref<80x128xf32, #tpu.memory_space<vmem>>)
      %scan3A_76 = arith.constant 0 : i32
      %scan3A_77 = arith.constant 5 : i32
      %scan3A_78 = arith.addi %scan3A_76, %scan3A_77 : i32
      %scan3A_79 = arith.constant 1 : i32
      %scan3A_80 = scf.for %scan3A_204 = %scan3A_76 to %scan3A_78 step %scan3A_79 iter_args(%scan3A_205 = %scan3A_60) -> (vector<16xf32>)  : i32 {
        %scan3A_206 = arith.constant 0 : i32
        %scan3A_207 = arith.constant 16 : i32
        %scan3A_208 = arith.addi %scan3A_206, %scan3A_207 : i32
        %scan3A_209 = arith.constant 1 : i32
        %scan3A_210:3 = scf.for %scan3A_247 = %scan3A_206 to %scan3A_208 step %scan3A_209 iter_args(%scan3A_248 = %broadcast_in_dim3A_3, %scan3A_249 = %broadcast_in_dim3A_3, %scan3A_250 = %broadcast_in_dim3A_3) -> (vector<16xf32>, vector<16xf32>, vector<16xf32>)  : i32 {
          %mul3A_251 = arith.constant 16 : i32
          %mul3A_252 = arith.muli %scan3A_204, %mul3A_251 : i32
          %add3A_253 = arith.addi %mul3A_252, %scan3A_247 : i32
          %get3A = arith.index_cast %add3A_253 : i32 to index
          %get3A_254 = arith.constant 0 : index
          %get3A_255 = tpu.vector_load %arg8[%get3A, %get3A_254] {strides = array<i32>} : memref<80x128xf32, #tpu.memory_space<vmem>>, vector<16xf32>,
          %get3A_256 = arith.index_cast %add3A_253 : i32 to index
          %get3A_257 = arith.constant 0 : index
          %get3A_258 = tpu.vector_load %arg13[%get3A_256, %get3A_257] {strides = array<i32>} : memref<80x128xf32, #tpu.memory_space<vmem>>, vector<16xf32>,
          %mul3A_259 = arith.mulf %get3A_255, %get3A_258 : vector<16xf32>
          %add3A_260 = arith.addf %broadcast_in_dim3A_3, %mul3A_259 : vector<16xf32>
          %mul3A_261 = arith.mulf %get3A_255, %get3A_255 : vector<16xf32>
          %add3A_262 = arith.addf %broadcast_in_dim3A_3, %mul3A_261 : vector<16xf32>
          %mul3A_263 = arith.mulf %get3A_258, %get3A_258 : vector<16xf32>
          %add3A_264 = arith.addf %broadcast_in_dim3A_3, %mul3A_263 : vector<16xf32>
          %get3A_265 = arith.index_cast %add3A_253 : i32 to index
          %get3A_266 = arith.constant 16 : index
          %get3A_267 = tpu.vector_load %arg8[%get3A_265, %get3A_266] {strides = array<i32>} : memref<80x128xf32, #tpu.memory_space<vmem>>, vector<16xf32>,
          %get3A_268 = arith.index_cast %add3A_253 : i32 to index
          %get3A_269 = arith.constant 16 : index
          %get3A_270 = tpu.vector_load %arg13[%get3A_268, %get3A_269] {strides = array<i32>} : memref<80x128xf32, #tpu.memory_space<vmem>>, vector<16xf32>,
          %mul3A_271 = arith.mulf %get3A_267, %get3A_270 : vector<16xf32>
          %add3A_272 = arith.addf %add3A_260, %mul3A_271 : vector<16xf32>
          %mul3A_273 = arith.mulf %get3A_267, %get3A_267 : vector<16xf32>
          %add3A_274 = arith.addf %add3A_262, %mul3A_273 : vector<16xf32>
          %mul3A_275 = arith.mulf %get3A_270, %get3A_270 : vector<16xf32>
          %add3A_276 = arith.addf %add3A_264, %mul3A_275 : vector<16xf32>
          %get3A_277 = arith.index_cast %add3A_253 : i32 to index
          %get3A_278 = arith.constant 32 : index
          %get3A_279 = tpu.vector_load %arg8[%get3A_277, %get3A_278] {strides = array<i32>} : memref<80x128xf32, #tpu.memory_space<vmem>>, vector<16xf32>,
          %get3A_280 = arith.index_cast %add3A_253 : i32 to index
          %get3A_281 = arith.constant 32 : index
          %get3A_282 = tpu.vector_load %arg13[%get3A_280, %get3A_281] {strides = array<i32>} : memref<80x128xf32, #tpu.memory_space<vmem>>, vector<16xf32>,
          %mul3A_283 = arith.mulf %get3A_279, %get3A_282 : vector<16xf32>
          %add3A_284 = arith.addf %add3A_272, %mul3A_283 : vector<16xf32>
          %mul3A_285 = arith.mulf %get3A_279, %get3A_279 : vector<16xf32>
          %add3A_286 = arith.addf %add3A_274, %mul3A_285 : vector<16xf32>
          %mul3A_287 = arith.mulf %get3A_282, %get3A_282 : vector<16xf32>
          %add3A_288 = arith.addf %add3A_276, %mul3A_287 : vector<16xf32>
          %get3A_289 = arith.index_cast %add3A_253 : i32 to index
          %get3A_290 = arith.constant 48 : index
          %get3A_291 = tpu.vector_load %arg8[%get3A_289, %get3A_290] {strides = array<i32>} : memref<80x128xf32, #tpu.memory_space<vmem>>, vector<16xf32>,
          %get3A_292 = arith.index_cast %add3A_253 : i32 to index
          %get3A_293 = arith.constant 48 : index
          %get3A_294 = tpu.vector_load %arg13[%get3A_292, %get3A_293] {strides = array<i32>} : memref<80x128xf32, #tpu.memory_space<vmem>>, vector<16xf32>,
          %mul3A_295 = arith.mulf %get3A_291, %get3A_294 : vector<16xf32>
          %add3A_296 = arith.addf %add3A_284, %mul3A_295 : vector<16xf32>
          %mul3A_297 = arith.mulf %get3A_291, %get3A_291 : vector<16xf32>
          %add3A_298 = arith.addf %add3A_286, %mul3A_297 : vector<16xf32>
          %mul3A_299 = arith.mulf %get3A_294, %get3A_294 : vector<16xf32>
          %add3A_300 = arith.addf %add3A_288, %mul3A_299 : vector<16xf32>
          %get3A_301 = arith.index_cast %add3A_253 : i32 to index
          %get3A_302 = arith.constant 64 : index
          %get3A_303 = tpu.vector_load %arg8[%get3A_301, %get3A_302] {strides = array<i32>} : memref<80x128xf32, #tpu.memory_space<vmem>>, vector<16xf32>,
          %get3A_304 = arith.index_cast %add3A_253 : i32 to index
          %get3A_305 = arith.constant 64 : index
          %get3A_306 = tpu.vector_load %arg13[%get3A_304, %get3A_305] {strides = array<i32>} : memref<80x128xf32, #tpu.memory_space<vmem>>, vector<16xf32>,
          %mul3A_307 = arith.mulf %get3A_303, %get3A_306 : vector<16xf32>
          %add3A_308 = arith.addf %add3A_296, %mul3A_307 : vector<16xf32>
          %mul3A_309 = arith.mulf %get3A_303, %get3A_303 : vector<16xf32>
          %add3A_310 = arith.addf %add3A_298, %mul3A_309 : vector<16xf32>
          %mul3A_311 = arith.mulf %get3A_306, %get3A_306 : vector<16xf32>
          %add3A_312 = arith.addf %add3A_300, %mul3A_311 : vector<16xf32>
          %get3A_313 = arith.index_cast %add3A_253 : i32 to index
          %get3A_314 = arith.constant 80 : index
          %get3A_315 = tpu.vector_load %arg8[%get3A_313, %get3A_314] {strides = array<i32>} : memref<80x128xf32, #tpu.memory_space<vmem>>, vector<16xf32>,
          %get3A_316 = arith.index_cast %add3A_253 : i32 to index
          %get3A_317 = arith.constant 80 : index
          %get3A_318 = tpu.vector_load %arg13[%get3A_316, %get3A_317] {strides = array<i32>} : memref<80x128xf32, #tpu.memory_space<vmem>>, vector<16xf32>,
          %mul3A_319 = arith.mulf %get3A_315, %get3A_318 : vector<16xf32>
          %add3A_320 = arith.addf %add3A_308, %mul3A_319 : vector<16xf32>
          %mul3A_321 = arith.mulf %get3A_315, %get3A_315 : vector<16xf32>
          %add3A_322 = arith.addf %add3A_310, %mul3A_321 : vector<16xf32>
          %mul3A_323 = arith.mulf %get3A_318, %get3A_318 : vector<16xf32>
          %add3A_324 = arith.addf %add3A_312, %mul3A_323 : vector<16xf32>
          %get3A_325 = arith.index_cast %add3A_253 : i32 to index
          %get3A_326 = arith.constant 96 : index
          %get3A_327 = tpu.vector_load %arg8[%get3A_325, %get3A_326] {strides = array<i32>} : memref<80x128xf32, #tpu.memory_space<vmem>>, vector<16xf32>,
          %get3A_328 = arith.index_cast %add3A_253 : i32 to index
          %get3A_329 = arith.constant 96 : index
          %get3A_330 = tpu.vector_load %arg13[%get3A_328, %get3A_329] {strides = array<i32>} : memref<80x128xf32, #tpu.memory_space<vmem>>, vector<16xf32>,
          %mul3A_331 = arith.mulf %get3A_327, %get3A_330 : vector<16xf32>
          %add3A_332 = arith.addf %add3A_320, %mul3A_331 : vector<16xf32>
          %mul3A_333 = arith.mulf %get3A_327, %get3A_327 : vector<16xf32>
          %add3A_334 = arith.addf %add3A_322, %mul3A_333 : vector<16xf32>
          %mul3A_335 = arith.mulf %get3A_330, %get3A_330 : vector<16xf32>
          %add3A_336 = arith.addf %add3A_324, %mul3A_335 : vector<16xf32>
          %get3A_337 = arith.index_cast %add3A_253 : i32 to index
          %get3A_338 = arith.constant 112 : index
          %get3A_339 = tpu.vector_load %arg8[%get3A_337, %get3A_338] {strides = array<i32>} : memref<80x128xf32, #tpu.memory_space<vmem>>, vector<16xf32>,
          %get3A_340 = arith.index_cast %add3A_253 : i32 to index
          %get3A_341 = arith.constant 112 : index
          %get3A_342 = tpu.vector_load %arg13[%get3A_340, %get3A_341] {strides = array<i32>} : memref<80x128xf32, #tpu.memory_space<vmem>>, vector<16xf32>,
          %mul3A_343 = arith.mulf %get3A_339, %get3A_342 : vector<16xf32>
          %add3A_344 = arith.addf %add3A_332, %mul3A_343 : vector<16xf32>
          %mul3A_345 = arith.mulf %get3A_339, %get3A_339 : vector<16xf32>
          %add3A_346 = arith.addf %add3A_334, %mul3A_345 : vector<16xf32>
          %mul3A_347 = arith.mulf %get3A_342, %get3A_342 : vector<16xf32>
          %add3A_348 = arith.addf %add3A_336, %mul3A_347 : vector<16xf32>
          %eq3A = vector.broadcast %scan3A_247 : i32 to vector<16xi32>
          %eq3A_349 = arith.cmpi eq, %iota3A, %eq3A : vector<16xi32>
          %reduce_sum3A = arith.constant true
          %reduce_sum3A_350 = vector.broadcast %reduce_sum3A : i1 to vector<16xi1>
          %reduce_sum3A_351 = tpu.scan <sum>, %add3A_344 masked %reduce_sum3A_350 : vector<16xf32>, vector<16xi1> -> vector<16xf32>
          %reduce_sum3A_352 = vector.extract %reduce_sum3A_351[15] : f32 from vector<16xf32>
          %broadcast_in_dim3A_353 = vector.broadcast %reduce_sum3A_352 : f32 to vector<16xf32>
          %select_n3A = arith.select %eq3A_349, %broadcast_in_dim3A_353, %scan3A_248 : vector<16xi1>, vector<16xf32>
          %reduce_sum3A_354 = arith.constant true
          %reduce_sum3A_355 = vector.broadcast %reduce_sum3A_354 : i1 to vector<16xi1>
          %reduce_sum3A_356 = tpu.scan <sum>, %add3A_346 masked %reduce_sum3A_355 : vector<16xf32>, vector<16xi1> -> vector<16xf32>
          %reduce_sum3A_357 = vector.extract %reduce_sum3A_356[15] : f32 from vector<16xf32>
          %broadcast_in_dim3A_358 = vector.broadcast %reduce_sum3A_357 : f32 to vector<16xf32>
          %select_n3A_359 = arith.select %eq3A_349, %broadcast_in_dim3A_358, %scan3A_249 : vector<16xi1>, vector<16xf32>
          %reduce_sum3A_360 = arith.constant true
          %reduce_sum3A_361 = vector.broadcast %reduce_sum3A_360 : i1 to vector<16xi1>
          %reduce_sum3A_362 = tpu.scan <sum>, %add3A_348 masked %reduce_sum3A_361 : vector<16xf32>, vector<16xi1> -> vector<16xf32>
          %reduce_sum3A_363 = vector.extract %reduce_sum3A_362[15] : f32 from vector<16xf32>
          %broadcast_in_dim3A_364 = vector.broadcast %reduce_sum3A_363 : f32 to vector<16xf32>
          %select_n3A_365 = arith.select %eq3A_349, %broadcast_in_dim3A_364, %scan3A_250 : vector<16xi1>, vector<16xf32>
          scf.yield %select_n3A, %select_n3A_359, %select_n3A_365 : vector<16xf32>, vector<16xf32>, vector<16xf32>
        }
        %scan3A_211 = arith.constant 16 : i32
        %mul3A_212 = arith.mulf %scan3A_210#1, %scan3A_210#2 : vector<16xf32>
        %bitcast_convert_type3A = tpu.bitcast %mul3A_212 : vector<16xf32> -> vector<16xi32>
        %shift_right_logical3A = arith.constant 1 : i32
        %shift_right_logical3A_213 = vector.broadcast %shift_right_logical3A : i32 to vector<16xi32>
        %shift_right_logical3A_214 = arith.shrui %bitcast_convert_type3A, %shift_right_logical3A_213 : vector<16xi32>
        %sub3A = arith.constant 1597463007 : i32
        %sub3A_215 = vector.broadcast %sub3A : i32 to vector<16xi32>
        %sub3A_216 = arith.subi %sub3A_215, %shift_right_logical3A_214 : vector<16xi32>
        %bitcast_convert_type3A_217 = tpu.bitcast %sub3A_216 : vector<16xi32> -> vector<16xf32>
        %mul3A_218 = arith.constant 5.000000e-01 : f32
        %mul3A_219 = vector.broadcast %mul3A_218 : f32 to vector<16xf32>
        %mul3A_220 = arith.mulf %mul3A_219, %mul3A_212 : vector<16xf32>
        %mul3A_221 = arith.mulf %mul3A_220, %bitcast_convert_type3A_217 : vector<16xf32>
        %mul3A_222 = arith.mulf %mul3A_221, %bitcast_convert_type3A_217 : vector<16xf32>
        %sub3A_223 = arith.constant 1.500000e+00 : f32
        %sub3A_224 = vector.broadcast %sub3A_223 : f32 to vector<16xf32>
        %sub3A_225 = arith.subf %sub3A_224, %mul3A_222 : vector<16xf32>
        %mul3A_226 = arith.mulf %bitcast_convert_type3A_217, %sub3A_225 : vector<16xf32>
        %mul3A_227 = arith.constant 5.000000e-01 : f32
        %mul3A_228 = vector.broadcast %mul3A_227 : f32 to vector<16xf32>
        %mul3A_229 = arith.mulf %mul3A_228, %mul3A_212 : vector<16xf32>
        %mul3A_230 = arith.mulf %mul3A_229, %mul3A_226 : vector<16xf32>
        %mul3A_231 = arith.mulf %mul3A_230, %mul3A_226 : vector<16xf32>
        %sub3A_232 = arith.constant 1.500000e+00 : f32
        %sub3A_233 = vector.broadcast %sub3A_232 : f32 to vector<16xf32>
        %sub3A_234 = arith.subf %sub3A_233, %mul3A_231 : vector<16xf32>
        %mul3A_235 = arith.mulf %mul3A_226, %sub3A_234 : vector<16xf32>
        %mul3A_236 = arith.constant 5.000000e-01 : f32
        %mul3A_237 = vector.broadcast %mul3A_236 : f32 to vector<16xf32>
        %mul3A_238 = arith.mulf %mul3A_237, %mul3A_212 : vector<16xf32>
        %mul3A_239 = arith.mulf %mul3A_238, %mul3A_235 : vector<16xf32>
        %mul3A_240 = arith.mulf %mul3A_239, %mul3A_235 : vector<16xf32>
        %sub3A_241 = arith.constant 1.500000e+00 : f32
        %sub3A_242 = vector.broadcast %sub3A_241 : f32 to vector<16xf32>
        %sub3A_243 = arith.subf %sub3A_242, %mul3A_240 : vector<16xf32>
        %mul3A_244 = arith.mulf %mul3A_235, %sub3A_243 : vector<16xf32>
        %mul3A_245 = arith.mulf %scan3A_210#0, %mul3A_244 : vector<16xf32>
        %add3A_246 = arith.addf %scan3A_205, %mul3A_245 : vector<16xf32>
        scf.yield %add3A_246 : vector<16xf32>
      }
      %scan3A_81 = arith.constant 5 : i32
      %add3A_82 = arith.constant 0 : i32
      %add3A_83 = arith.addi %mul3A_62, %add3A_82 : i32
      %add3A_84 = arith.constant 5 : i32
      %add3A_85 = arith.addi %add3A_83, %add3A_84 : i32
      %lt3A = arith.constant 80 : i32
      %lt3A_86 = arith.cmpi slt, %add3A_85, %lt3A : i32
      %convert_element_type3A = arith.extui %lt3A_86 : i1 to i32
      %cond3A = arith.constant 0 : i32
      %cond3A_87 = arith.cmpi ne, %convert_element_type3A, %cond3A : i32
      scf.if %cond3A_87 {
        %add3A_204 = arith.constant 0 : i32
        %add3A_205 = arith.addi %mul3A_62, %add3A_204 : i32
        %add3A_206 = arith.constant 5 : i32
        %add3A_207 = arith.addi %add3A_205, %add3A_206 : i32
        %mul3A_208 = arith.constant 80 : i32
        %mul3A_209 = arith.muli %add3A_207, %mul3A_208 : i32
        %dma_start3A_210 = tpu.memref_slice %arg6[%mul3A_209] : memref<6400xi32, #tpu.memory_space<vmem>> -> memref<80xi32, #tpu.memory_space<vmem>>
        %dma_start3A_211 = arith.constant 0 : i32
        %dma_start3A_212 = arith.constant 0 : i32
        %dma_start3A_213 = tpu.memref_slice %arg4[%dma_start3A_211, %dma_start3A_212] : memref<100000x128xf32, #tpu.memory_space<hbm>> -> memref<100000x128xf32, #tpu.memory_space<hbm>>
        tpu.enqueue_indirect_dma source(%dma_start3A_213 : memref<100000x128xf32, #tpu.memory_space<hbm>>) target(%arg8 : memref<80x128xf32, #tpu.memory_space<vmem>>) offsets(%dma_start3A_210 : memref<80xi32, #tpu.memory_space<vmem>>) semaphore(%arg19 : memref<!tpu.dma_semaphore, #tpu.memory_space<semaphore_mem>>)
        %mul3A_214 = arith.constant 80 : i32
        %mul3A_215 = arith.muli %add3A_207, %mul3A_214 : i32
        %dma_start3A_216 = tpu.memref_slice %arg7[%mul3A_215] : memref<6400xi32, #tpu.memory_space<vmem>> -> memref<80xi32, #tpu.memory_space<vmem>>
        %dma_start3A_217 = arith.constant 0 : i32
        %dma_start3A_218 = arith.constant 0 : i32
        %dma_start3A_219 = tpu.memref_slice %arg4[%dma_start3A_217, %dma_start3A_218] : memref<100000x128xf32, #tpu.memory_space<hbm>> -> memref<100000x128xf32, #tpu.memory_space<hbm>>
        tpu.enqueue_indirect_dma source(%dma_start3A_219 : memref<100000x128xf32, #tpu.memory_space<hbm>>) target(%arg13 : memref<80x128xf32, #tpu.memory_space<vmem>>) offsets(%dma_start3A_216 : memref<80xi32, #tpu.memory_space<vmem>>) semaphore(%arg19 : memref<!tpu.dma_semaphore, #tpu.memory_space<semaphore_mem>>)
      } else {
      }
      %add3A_88 = arith.constant 1 : i32
      %add3A_89 = arith.addi %mul3A_62, %add3A_88 : i32
      %mul3A_90 = arith.constant 80 : i32
      %mul3A_91 = arith.muli %add3A_89, %mul3A_90 : i32
      %dma_wait3A_92 = tpu.memref_slice %arg6[%mul3A_91] : memref<6400xi32, #tpu.memory_space<vmem>> -> memref<80xi32, #tpu.memory_space<vmem>>
      %dma_wait3A_93 = arith.constant 0 : i32
      %dma_wait3A_94 = arith.constant 0 : i32
      %dma_wait3A_95 = tpu.memref_slice %arg4[%dma_wait3A_93, %dma_wait3A_94] : memref<100000x128xf32, #tpu.memory_space<hbm>> -> memref<100000x128xf32, #tpu.memory_space<hbm>>
      tpu.wait_indirect_dma semaphore(%arg20 : memref<!tpu.dma_semaphore, #tpu.memory_space<semaphore_mem>>) src(%dma_wait3A_95 : memref<100000x128xf32, #tpu.memory_space<hbm>>) dst(%arg9 : memref<80x128xf32, #tpu.memory_space<vmem>>)
      %mul3A_96 = arith.constant 80 : i32
      %mul3A_97 = arith.muli %add3A_89, %mul3A_96 : i32
      %dma_wait3A_98 = tpu.memref_slice %arg7[%mul3A_97] : memref<6400xi32, #tpu.memory_space<vmem>> -> memref<80xi32, #tpu.memory_space<vmem>>
      %dma_wait3A_99 = arith.constant 0 : i32
      %dma_wait3A_100 = arith.constant 0 : i32
      %dma_wait3A_101 = tpu.memref_slice %arg4[%dma_wait3A_99, %dma_wait3A_100] : memref<100000x128xf32, #tpu.memory_space<hbm>> -> memref<100000x128xf32, #tpu.memory_space<hbm>>
      tpu.wait_indirect_dma semaphore(%arg20 : memref<!tpu.dma_semaphore, #tpu.memory_space<semaphore_mem>>) src(%dma_wait3A_101 : memref<100000x128xf32, #tpu.memory_space<hbm>>) dst(%arg14 : memref<80x128xf32, #tpu.memory_space<vmem>>)
      %scan3A_102 = arith.constant 0 : i32
      %scan3A_103 = arith.constant 5 : i32
      %scan3A_104 = arith.addi %scan3A_102, %scan3A_103 : i32
      %scan3A_105 = arith.constant 1 : i32
      %scan3A_106 = scf.for %scan3A_204 = %scan3A_102 to %scan3A_104 step %scan3A_105 iter_args(%scan3A_205 = %scan3A_80) -> (vector<16xf32>)  : i32 {
        %scan3A_206 = arith.constant 0 : i32
        %scan3A_207 = arith.constant 16 : i32
        %scan3A_208 = arith.addi %scan3A_206, %scan3A_207 : i32
        %scan3A_209 = arith.constant 1 : i32
        %scan3A_210:3 = scf.for %scan3A_247 = %scan3A_206 to %scan3A_208 step %scan3A_209 iter_args(%scan3A_248 = %broadcast_in_dim3A_3, %scan3A_249 = %broadcast_in_dim3A_3, %scan3A_250 = %broadcast_in_dim3A_3) -> (vector<16xf32>, vector<16xf32>, vector<16xf32>)  : i32 {
          %mul3A_251 = arith.constant 16 : i32
          %mul3A_252 = arith.muli %scan3A_204, %mul3A_251 : i32
          %add3A_253 = arith.addi %mul3A_252, %scan3A_247 : i32
          %get3A = arith.index_cast %add3A_253 : i32 to index
          %get3A_254 = arith.constant 0 : index
          %get3A_255 = tpu.vector_load %arg9[%get3A, %get3A_254] {strides = array<i32>} : memref<80x128xf32, #tpu.memory_space<vmem>>, vector<16xf32>,
          %get3A_256 = arith.index_cast %add3A_253 : i32 to index
          %get3A_257 = arith.constant 0 : index
          %get3A_258 = tpu.vector_load %arg14[%get3A_256, %get3A_257] {strides = array<i32>} : memref<80x128xf32, #tpu.memory_space<vmem>>, vector<16xf32>,
          %mul3A_259 = arith.mulf %get3A_255, %get3A_258 : vector<16xf32>
          %add3A_260 = arith.addf %broadcast_in_dim3A_3, %mul3A_259 : vector<16xf32>
          %mul3A_261 = arith.mulf %get3A_255, %get3A_255 : vector<16xf32>
          %add3A_262 = arith.addf %broadcast_in_dim3A_3, %mul3A_261 : vector<16xf32>
          %mul3A_263 = arith.mulf %get3A_258, %get3A_258 : vector<16xf32>
          %add3A_264 = arith.addf %broadcast_in_dim3A_3, %mul3A_263 : vector<16xf32>
          %get3A_265 = arith.index_cast %add3A_253 : i32 to index
          %get3A_266 = arith.constant 16 : index
          %get3A_267 = tpu.vector_load %arg9[%get3A_265, %get3A_266] {strides = array<i32>} : memref<80x128xf32, #tpu.memory_space<vmem>>, vector<16xf32>,
          %get3A_268 = arith.index_cast %add3A_253 : i32 to index
          %get3A_269 = arith.constant 16 : index
          %get3A_270 = tpu.vector_load %arg14[%get3A_268, %get3A_269] {strides = array<i32>} : memref<80x128xf32, #tpu.memory_space<vmem>>, vector<16xf32>,
          %mul3A_271 = arith.mulf %get3A_267, %get3A_270 : vector<16xf32>
          %add3A_272 = arith.addf %add3A_260, %mul3A_271 : vector<16xf32>
          %mul3A_273 = arith.mulf %get3A_267, %get3A_267 : vector<16xf32>
          %add3A_274 = arith.addf %add3A_262, %mul3A_273 : vector<16xf32>
          %mul3A_275 = arith.mulf %get3A_270, %get3A_270 : vector<16xf32>
          %add3A_276 = arith.addf %add3A_264, %mul3A_275 : vector<16xf32>
          %get3A_277 = arith.index_cast %add3A_253 : i32 to index
          %get3A_278 = arith.constant 32 : index
          %get3A_279 = tpu.vector_load %arg9[%get3A_277, %get3A_278] {strides = array<i32>} : memref<80x128xf32, #tpu.memory_space<vmem>>, vector<16xf32>,
          %get3A_280 = arith.index_cast %add3A_253 : i32 to index
          %get3A_281 = arith.constant 32 : index
          %get3A_282 = tpu.vector_load %arg14[%get3A_280, %get3A_281] {strides = array<i32>} : memref<80x128xf32, #tpu.memory_space<vmem>>, vector<16xf32>,
          %mul3A_283 = arith.mulf %get3A_279, %get3A_282 : vector<16xf32>
          %add3A_284 = arith.addf %add3A_272, %mul3A_283 : vector<16xf32>
          %mul3A_285 = arith.mulf %get3A_279, %get3A_279 : vector<16xf32>
          %add3A_286 = arith.addf %add3A_274, %mul3A_285 : vector<16xf32>
          %mul3A_287 = arith.mulf %get3A_282, %get3A_282 : vector<16xf32>
          %add3A_288 = arith.addf %add3A_276, %mul3A_287 : vector<16xf32>
          %get3A_289 = arith.index_cast %add3A_253 : i32 to index
          %get3A_290 = arith.constant 48 : index
          %get3A_291 = tpu.vector_load %arg9[%get3A_289, %get3A_290] {strides = array<i32>} : memref<80x128xf32, #tpu.memory_space<vmem>>, vector<16xf32>,
          %get3A_292 = arith.index_cast %add3A_253 : i32 to index
          %get3A_293 = arith.constant 48 : index
          %get3A_294 = tpu.vector_load %arg14[%get3A_292, %get3A_293] {strides = array<i32>} : memref<80x128xf32, #tpu.memory_space<vmem>>, vector<16xf32>,
          %mul3A_295 = arith.mulf %get3A_291, %get3A_294 : vector<16xf32>
          %add3A_296 = arith.addf %add3A_284, %mul3A_295 : vector<16xf32>
          %mul3A_297 = arith.mulf %get3A_291, %get3A_291 : vector<16xf32>
          %add3A_298 = arith.addf %add3A_286, %mul3A_297 : vector<16xf32>
          %mul3A_299 = arith.mulf %get3A_294, %get3A_294 : vector<16xf32>
          %add3A_300 = arith.addf %add3A_288, %mul3A_299 : vector<16xf32>
          %get3A_301 = arith.index_cast %add3A_253 : i32 to index
          %get3A_302 = arith.constant 64 : index
          %get3A_303 = tpu.vector_load %arg9[%get3A_301, %get3A_302] {strides = array<i32>} : memref<80x128xf32, #tpu.memory_space<vmem>>, vector<16xf32>,
          %get3A_304 = arith.index_cast %add3A_253 : i32 to index
          %get3A_305 = arith.constant 64 : index
          %get3A_306 = tpu.vector_load %arg14[%get3A_304, %get3A_305] {strides = array<i32>} : memref<80x128xf32, #tpu.memory_space<vmem>>, vector<16xf32>,
          %mul3A_307 = arith.mulf %get3A_303, %get3A_306 : vector<16xf32>
          %add3A_308 = arith.addf %add3A_296, %mul3A_307 : vector<16xf32>
          %mul3A_309 = arith.mulf %get3A_303, %get3A_303 : vector<16xf32>
          %add3A_310 = arith.addf %add3A_298, %mul3A_309 : vector<16xf32>
          %mul3A_311 = arith.mulf %get3A_306, %get3A_306 : vector<16xf32>
          %add3A_312 = arith.addf %add3A_300, %mul3A_311 : vector<16xf32>
          %get3A_313 = arith.index_cast %add3A_253 : i32 to index
          %get3A_314 = arith.constant 80 : index
          %get3A_315 = tpu.vector_load %arg9[%get3A_313, %get3A_314] {strides = array<i32>} : memref<80x128xf32, #tpu.memory_space<vmem>>, vector<16xf32>,
          %get3A_316 = arith.index_cast %add3A_253 : i32 to index
          %get3A_317 = arith.constant 80 : index
          %get3A_318 = tpu.vector_load %arg14[%get3A_316, %get3A_317] {strides = array<i32>} : memref<80x128xf32, #tpu.memory_space<vmem>>, vector<16xf32>,
          %mul3A_319 = arith.mulf %get3A_315, %get3A_318 : vector<16xf32>
          %add3A_320 = arith.addf %add3A_308, %mul3A_319 : vector<16xf32>
          %mul3A_321 = arith.mulf %get3A_315, %get3A_315 : vector<16xf32>
          %add3A_322 = arith.addf %add3A_310, %mul3A_321 : vector<16xf32>
          %mul3A_323 = arith.mulf %get3A_318, %get3A_318 : vector<16xf32>
          %add3A_324 = arith.addf %add3A_312, %mul3A_323 : vector<16xf32>
          %get3A_325 = arith.index_cast %add3A_253 : i32 to index
          %get3A_326 = arith.constant 96 : index
          %get3A_327 = tpu.vector_load %arg9[%get3A_325, %get3A_326] {strides = array<i32>} : memref<80x128xf32, #tpu.memory_space<vmem>>, vector<16xf32>,
          %get3A_328 = arith.index_cast %add3A_253 : i32 to index
          %get3A_329 = arith.constant 96 : index
          %get3A_330 = tpu.vector_load %arg14[%get3A_328, %get3A_329] {strides = array<i32>} : memref<80x128xf32, #tpu.memory_space<vmem>>, vector<16xf32>,
          %mul3A_331 = arith.mulf %get3A_327, %get3A_330 : vector<16xf32>
          %add3A_332 = arith.addf %add3A_320, %mul3A_331 : vector<16xf32>
          %mul3A_333 = arith.mulf %get3A_327, %get3A_327 : vector<16xf32>
          %add3A_334 = arith.addf %add3A_322, %mul3A_333 : vector<16xf32>
          %mul3A_335 = arith.mulf %get3A_330, %get3A_330 : vector<16xf32>
          %add3A_336 = arith.addf %add3A_324, %mul3A_335 : vector<16xf32>
          %get3A_337 = arith.index_cast %add3A_253 : i32 to index
          %get3A_338 = arith.constant 112 : index
          %get3A_339 = tpu.vector_load %arg9[%get3A_337, %get3A_338] {strides = array<i32>} : memref<80x128xf32, #tpu.memory_space<vmem>>, vector<16xf32>,
          %get3A_340 = arith.index_cast %add3A_253 : i32 to index
          %get3A_341 = arith.constant 112 : index
          %get3A_342 = tpu.vector_load %arg14[%get3A_340, %get3A_341] {strides = array<i32>} : memref<80x128xf32, #tpu.memory_space<vmem>>, vector<16xf32>,
          %mul3A_343 = arith.mulf %get3A_339, %get3A_342 : vector<16xf32>
          %add3A_344 = arith.addf %add3A_332, %mul3A_343 : vector<16xf32>
          %mul3A_345 = arith.mulf %get3A_339, %get3A_339 : vector<16xf32>
          %add3A_346 = arith.addf %add3A_334, %mul3A_345 : vector<16xf32>
          %mul3A_347 = arith.mulf %get3A_342, %get3A_342 : vector<16xf32>
          %add3A_348 = arith.addf %add3A_336, %mul3A_347 : vector<16xf32>
          %eq3A = vector.broadcast %scan3A_247 : i32 to vector<16xi32>
          %eq3A_349 = arith.cmpi eq, %iota3A, %eq3A : vector<16xi32>
          %reduce_sum3A = arith.constant true
          %reduce_sum3A_350 = vector.broadcast %reduce_sum3A : i1 to vector<16xi1>
          %reduce_sum3A_351 = tpu.scan <sum>, %add3A_344 masked %reduce_sum3A_350 : vector<16xf32>, vector<16xi1> -> vector<16xf32>
          %reduce_sum3A_352 = vector.extract %reduce_sum3A_351[15] : f32 from vector<16xf32>
          %broadcast_in_dim3A_353 = vector.broadcast %reduce_sum3A_352 : f32 to vector<16xf32>
          %select_n3A = arith.select %eq3A_349, %broadcast_in_dim3A_353, %scan3A_248 : vector<16xi1>, vector<16xf32>
          %reduce_sum3A_354 = arith.constant true
          %reduce_sum3A_355 = vector.broadcast %reduce_sum3A_354 : i1 to vector<16xi1>
          %reduce_sum3A_356 = tpu.scan <sum>, %add3A_346 masked %reduce_sum3A_355 : vector<16xf32>, vector<16xi1> -> vector<16xf32>
          %reduce_sum3A_357 = vector.extract %reduce_sum3A_356[15] : f32 from vector<16xf32>
          %broadcast_in_dim3A_358 = vector.broadcast %reduce_sum3A_357 : f32 to vector<16xf32>
          %select_n3A_359 = arith.select %eq3A_349, %broadcast_in_dim3A_358, %scan3A_249 : vector<16xi1>, vector<16xf32>
          %reduce_sum3A_360 = arith.constant true
          %reduce_sum3A_361 = vector.broadcast %reduce_sum3A_360 : i1 to vector<16xi1>
          %reduce_sum3A_362 = tpu.scan <sum>, %add3A_348 masked %reduce_sum3A_361 : vector<16xf32>, vector<16xi1> -> vector<16xf32>
          %reduce_sum3A_363 = vector.extract %reduce_sum3A_362[15] : f32 from vector<16xf32>
          %broadcast_in_dim3A_364 = vector.broadcast %reduce_sum3A_363 : f32 to vector<16xf32>
          %select_n3A_365 = arith.select %eq3A_349, %broadcast_in_dim3A_364, %scan3A_250 : vector<16xi1>, vector<16xf32>
          scf.yield %select_n3A, %select_n3A_359, %select_n3A_365 : vector<16xf32>, vector<16xf32>, vector<16xf32>
        }
        %scan3A_211 = arith.constant 16 : i32
        %mul3A_212 = arith.mulf %scan3A_210#1, %scan3A_210#2 : vector<16xf32>
        %bitcast_convert_type3A = tpu.bitcast %mul3A_212 : vector<16xf32> -> vector<16xi32>
        %shift_right_logical3A = arith.constant 1 : i32
        %shift_right_logical3A_213 = vector.broadcast %shift_right_logical3A : i32 to vector<16xi32>
        %shift_right_logical3A_214 = arith.shrui %bitcast_convert_type3A, %shift_right_logical3A_213 : vector<16xi32>
        %sub3A = arith.constant 1597463007 : i32
        %sub3A_215 = vector.broadcast %sub3A : i32 to vector<16xi32>
        %sub3A_216 = arith.subi %sub3A_215, %shift_right_logical3A_214 : vector<16xi32>
        %bitcast_convert_type3A_217 = tpu.bitcast %sub3A_216 : vector<16xi32> -> vector<16xf32>
        %mul3A_218 = arith.constant 5.000000e-01 : f32
        %mul3A_219 = vector.broadcast %mul3A_218 : f32 to vector<16xf32>
        %mul3A_220 = arith.mulf %mul3A_219, %mul3A_212 : vector<16xf32>
        %mul3A_221 = arith.mulf %mul3A_220, %bitcast_convert_type3A_217 : vector<16xf32>
        %mul3A_222 = arith.mulf %mul3A_221, %bitcast_convert_type3A_217 : vector<16xf32>
        %sub3A_223 = arith.constant 1.500000e+00 : f32
        %sub3A_224 = vector.broadcast %sub3A_223 : f32 to vector<16xf32>
        %sub3A_225 = arith.subf %sub3A_224, %mul3A_222 : vector<16xf32>
        %mul3A_226 = arith.mulf %bitcast_convert_type3A_217, %sub3A_225 : vector<16xf32>
        %mul3A_227 = arith.constant 5.000000e-01 : f32
        %mul3A_228 = vector.broadcast %mul3A_227 : f32 to vector<16xf32>
        %mul3A_229 = arith.mulf %mul3A_228, %mul3A_212 : vector<16xf32>
        %mul3A_230 = arith.mulf %mul3A_229, %mul3A_226 : vector<16xf32>
        %mul3A_231 = arith.mulf %mul3A_230, %mul3A_226 : vector<16xf32>
        %sub3A_232 = arith.constant 1.500000e+00 : f32
        %sub3A_233 = vector.broadcast %sub3A_232 : f32 to vector<16xf32>
        %sub3A_234 = arith.subf %sub3A_233, %mul3A_231 : vector<16xf32>
        %mul3A_235 = arith.mulf %mul3A_226, %sub3A_234 : vector<16xf32>
        %mul3A_236 = arith.constant 5.000000e-01 : f32
        %mul3A_237 = vector.broadcast %mul3A_236 : f32 to vector<16xf32>
        %mul3A_238 = arith.mulf %mul3A_237, %mul3A_212 : vector<16xf32>
        %mul3A_239 = arith.mulf %mul3A_238, %mul3A_235 : vector<16xf32>
        %mul3A_240 = arith.mulf %mul3A_239, %mul3A_235 : vector<16xf32>
        %sub3A_241 = arith.constant 1.500000e+00 : f32
        %sub3A_242 = vector.broadcast %sub3A_241 : f32 to vector<16xf32>
        %sub3A_243 = arith.subf %sub3A_242, %mul3A_240 : vector<16xf32>
        %mul3A_244 = arith.mulf %mul3A_235, %sub3A_243 : vector<16xf32>
        %mul3A_245 = arith.mulf %scan3A_210#0, %mul3A_244 : vector<16xf32>
        %add3A_246 = arith.addf %scan3A_205, %mul3A_245 : vector<16xf32>
        scf.yield %add3A_246 : vector<16xf32>
      }
      %scan3A_107 = arith.constant 5 : i32
      %add3A_108 = arith.constant 1 : i32
      %add3A_109 = arith.addi %mul3A_62, %add3A_108 : i32
      %add3A_110 = arith.constant 5 : i32
      %add3A_111 = arith.addi %add3A_109, %add3A_110 : i32
      %lt3A_112 = arith.constant 80 : i32
      %lt3A_113 = arith.cmpi slt, %add3A_111, %lt3A_112 : i32
      %convert_element_type3A_114 = arith.extui %lt3A_113 : i1 to i32
      %cond3A_115 = arith.constant 0 : i32
      %cond3A_116 = arith.cmpi ne, %convert_element_type3A_114, %cond3A_115 : i32
      scf.if %cond3A_116 {
        %add3A_204 = arith.constant 1 : i32
        %add3A_205 = arith.addi %mul3A_62, %add3A_204 : i32
        %add3A_206 = arith.constant 5 : i32
        %add3A_207 = arith.addi %add3A_205, %add3A_206 : i32
        %mul3A_208 = arith.constant 80 : i32
        %mul3A_209 = arith.muli %add3A_207, %mul3A_208 : i32
        %dma_start3A_210 = tpu.memref_slice %arg6[%mul3A_209] : memref<6400xi32, #tpu.memory_space<vmem>> -> memref<80xi32, #tpu.memory_space<vmem>>
        %dma_start3A_211 = arith.constant 0 : i32
        %dma_start3A_212 = arith.constant 0 : i32
        %dma_start3A_213 = tpu.memref_slice %arg4[%dma_start3A_211, %dma_start3A_212] : memref<100000x128xf32, #tpu.memory_space<hbm>> -> memref<100000x128xf32, #tpu.memory_space<hbm>>
        tpu.enqueue_indirect_dma source(%dma_start3A_213 : memref<100000x128xf32, #tpu.memory_space<hbm>>) target(%arg9 : memref<80x128xf32, #tpu.memory_space<vmem>>) offsets(%dma_start3A_210 : memref<80xi32, #tpu.memory_space<vmem>>) semaphore(%arg20 : memref<!tpu.dma_semaphore, #tpu.memory_space<semaphore_mem>>)
        %mul3A_214 = arith.constant 80 : i32
        %mul3A_215 = arith.muli %add3A_207, %mul3A_214 : i32
        %dma_start3A_216 = tpu.memref_slice %arg7[%mul3A_215] : memref<6400xi32, #tpu.memory_space<vmem>> -> memref<80xi32, #tpu.memory_space<vmem>>
        %dma_start3A_217 = arith.constant 0 : i32
        %dma_start3A_218 = arith.constant 0 : i32
        %dma_start3A_219 = tpu.memref_slice %arg4[%dma_start3A_217, %dma_start3A_218] : memref<100000x128xf32, #tpu.memory_space<hbm>> -> memref<100000x128xf32, #tpu.memory_space<hbm>>
        tpu.enqueue_indirect_dma source(%dma_start3A_219 : memref<100000x128xf32, #tpu.memory_space<hbm>>) target(%arg14 : memref<80x128xf32, #tpu.memory_space<vmem>>) offsets(%dma_start3A_216 : memref<80xi32, #tpu.memory_space<vmem>>) semaphore(%arg20 : memref<!tpu.dma_semaphore, #tpu.memory_space<semaphore_mem>>)
      } else {
      }
      %add3A_117 = arith.constant 2 : i32
      %add3A_118 = arith.addi %mul3A_62, %add3A_117 : i32
      %mul3A_119 = arith.constant 80 : i32
      %mul3A_120 = arith.muli %add3A_118, %mul3A_119 : i32
      %dma_wait3A_121 = tpu.memref_slice %arg6[%mul3A_120] : memref<6400xi32, #tpu.memory_space<vmem>> -> memref<80xi32, #tpu.memory_space<vmem>>
      %dma_wait3A_122 = arith.constant 0 : i32
      %dma_wait3A_123 = arith.constant 0 : i32
      %dma_wait3A_124 = tpu.memref_slice %arg4[%dma_wait3A_122, %dma_wait3A_123] : memref<100000x128xf32, #tpu.memory_space<hbm>> -> memref<100000x128xf32, #tpu.memory_space<hbm>>
      tpu.wait_indirect_dma semaphore(%arg21 : memref<!tpu.dma_semaphore, #tpu.memory_space<semaphore_mem>>) src(%dma_wait3A_124 : memref<100000x128xf32, #tpu.memory_space<hbm>>) dst(%arg10 : memref<80x128xf32, #tpu.memory_space<vmem>>)
      %mul3A_125 = arith.constant 80 : i32
      %mul3A_126 = arith.muli %add3A_118, %mul3A_125 : i32
      %dma_wait3A_127 = tpu.memref_slice %arg7[%mul3A_126] : memref<6400xi32, #tpu.memory_space<vmem>> -> memref<80xi32, #tpu.memory_space<vmem>>
      %dma_wait3A_128 = arith.constant 0 : i32
      %dma_wait3A_129 = arith.constant 0 : i32
      %dma_wait3A_130 = tpu.memref_slice %arg4[%dma_wait3A_128, %dma_wait3A_129] : memref<100000x128xf32, #tpu.memory_space<hbm>> -> memref<100000x128xf32, #tpu.memory_space<hbm>>
      tpu.wait_indirect_dma semaphore(%arg21 : memref<!tpu.dma_semaphore, #tpu.memory_space<semaphore_mem>>) src(%dma_wait3A_130 : memref<100000x128xf32, #tpu.memory_space<hbm>>) dst(%arg15 : memref<80x128xf32, #tpu.memory_space<vmem>>)
      %scan3A_131 = arith.constant 0 : i32
      %scan3A_132 = arith.constant 5 : i32
      %scan3A_133 = arith.addi %scan3A_131, %scan3A_132 : i32
      %scan3A_134 = arith.constant 1 : i32
      %scan3A_135 = scf.for %scan3A_204 = %scan3A_131 to %scan3A_133 step %scan3A_134 iter_args(%scan3A_205 = %scan3A_106) -> (vector<16xf32>)  : i32 {
        %scan3A_206 = arith.constant 0 : i32
        %scan3A_207 = arith.constant 16 : i32
        %scan3A_208 = arith.addi %scan3A_206, %scan3A_207 : i32
        %scan3A_209 = arith.constant 1 : i32
        %scan3A_210:3 = scf.for %scan3A_247 = %scan3A_206 to %scan3A_208 step %scan3A_209 iter_args(%scan3A_248 = %broadcast_in_dim3A_3, %scan3A_249 = %broadcast_in_dim3A_3, %scan3A_250 = %broadcast_in_dim3A_3) -> (vector<16xf32>, vector<16xf32>, vector<16xf32>)  : i32 {
          %mul3A_251 = arith.constant 16 : i32
          %mul3A_252 = arith.muli %scan3A_204, %mul3A_251 : i32
          %add3A_253 = arith.addi %mul3A_252, %scan3A_247 : i32
          %get3A = arith.index_cast %add3A_253 : i32 to index
          %get3A_254 = arith.constant 0 : index
          %get3A_255 = tpu.vector_load %arg10[%get3A, %get3A_254] {strides = array<i32>} : memref<80x128xf32, #tpu.memory_space<vmem>>, vector<16xf32>,
          %get3A_256 = arith.index_cast %add3A_253 : i32 to index
          %get3A_257 = arith.constant 0 : index
          %get3A_258 = tpu.vector_load %arg15[%get3A_256, %get3A_257] {strides = array<i32>} : memref<80x128xf32, #tpu.memory_space<vmem>>, vector<16xf32>,
          %mul3A_259 = arith.mulf %get3A_255, %get3A_258 : vector<16xf32>
          %add3A_260 = arith.addf %broadcast_in_dim3A_3, %mul3A_259 : vector<16xf32>
          %mul3A_261 = arith.mulf %get3A_255, %get3A_255 : vector<16xf32>
          %add3A_262 = arith.addf %broadcast_in_dim3A_3, %mul3A_261 : vector<16xf32>
          %mul3A_263 = arith.mulf %get3A_258, %get3A_258 : vector<16xf32>
          %add3A_264 = arith.addf %broadcast_in_dim3A_3, %mul3A_263 : vector<16xf32>
          %get3A_265 = arith.index_cast %add3A_253 : i32 to index
          %get3A_266 = arith.constant 16 : index
          %get3A_267 = tpu.vector_load %arg10[%get3A_265, %get3A_266] {strides = array<i32>} : memref<80x128xf32, #tpu.memory_space<vmem>>, vector<16xf32>,
          %get3A_268 = arith.index_cast %add3A_253 : i32 to index
          %get3A_269 = arith.constant 16 : index
          %get3A_270 = tpu.vector_load %arg15[%get3A_268, %get3A_269] {strides = array<i32>} : memref<80x128xf32, #tpu.memory_space<vmem>>, vector<16xf32>,
          %mul3A_271 = arith.mulf %get3A_267, %get3A_270 : vector<16xf32>
          %add3A_272 = arith.addf %add3A_260, %mul3A_271 : vector<16xf32>
          %mul3A_273 = arith.mulf %get3A_267, %get3A_267 : vector<16xf32>
          %add3A_274 = arith.addf %add3A_262, %mul3A_273 : vector<16xf32>
          %mul3A_275 = arith.mulf %get3A_270, %get3A_270 : vector<16xf32>
          %add3A_276 = arith.addf %add3A_264, %mul3A_275 : vector<16xf32>
          %get3A_277 = arith.index_cast %add3A_253 : i32 to index
          %get3A_278 = arith.constant 32 : index
          %get3A_279 = tpu.vector_load %arg10[%get3A_277, %get3A_278] {strides = array<i32>} : memref<80x128xf32, #tpu.memory_space<vmem>>, vector<16xf32>,
          %get3A_280 = arith.index_cast %add3A_253 : i32 to index
          %get3A_281 = arith.constant 32 : index
          %get3A_282 = tpu.vector_load %arg15[%get3A_280, %get3A_281] {strides = array<i32>} : memref<80x128xf32, #tpu.memory_space<vmem>>, vector<16xf32>,
          %mul3A_283 = arith.mulf %get3A_279, %get3A_282 : vector<16xf32>
          %add3A_284 = arith.addf %add3A_272, %mul3A_283 : vector<16xf32>
          %mul3A_285 = arith.mulf %get3A_279, %get3A_279 : vector<16xf32>
          %add3A_286 = arith.addf %add3A_274, %mul3A_285 : vector<16xf32>
          %mul3A_287 = arith.mulf %get3A_282, %get3A_282 : vector<16xf32>
          %add3A_288 = arith.addf %add3A_276, %mul3A_287 : vector<16xf32>
          %get3A_289 = arith.index_cast %add3A_253 : i32 to index
          %get3A_290 = arith.constant 48 : index
          %get3A_291 = tpu.vector_load %arg10[%get3A_289, %get3A_290] {strides = array<i32>} : memref<80x128xf32, #tpu.memory_space<vmem>>, vector<16xf32>,
          %get3A_292 = arith.index_cast %add3A_253 : i32 to index
          %get3A_293 = arith.constant 48 : index
          %get3A_294 = tpu.vector_load %arg15[%get3A_292, %get3A_293] {strides = array<i32>} : memref<80x128xf32, #tpu.memory_space<vmem>>, vector<16xf32>,
          %mul3A_295 = arith.mulf %get3A_291, %get3A_294 : vector<16xf32>
          %add3A_296 = arith.addf %add3A_284, %mul3A_295 : vector<16xf32>
          %mul3A_297 = arith.mulf %get3A_291, %get3A_291 : vector<16xf32>
          %add3A_298 = arith.addf %add3A_286, %mul3A_297 : vector<16xf32>
          %mul3A_299 = arith.mulf %get3A_294, %get3A_294 : vector<16xf32>
          %add3A_300 = arith.addf %add3A_288, %mul3A_299 : vector<16xf32>
          %get3A_301 = arith.index_cast %add3A_253 : i32 to index
          %get3A_302 = arith.constant 64 : index
          %get3A_303 = tpu.vector_load %arg10[%get3A_301, %get3A_302] {strides = array<i32>} : memref<80x128xf32, #tpu.memory_space<vmem>>, vector<16xf32>,
          %get3A_304 = arith.index_cast %add3A_253 : i32 to index
          %get3A_305 = arith.constant 64 : index
          %get3A_306 = tpu.vector_load %arg15[%get3A_304, %get3A_305] {strides = array<i32>} : memref<80x128xf32, #tpu.memory_space<vmem>>, vector<16xf32>,
          %mul3A_307 = arith.mulf %get3A_303, %get3A_306 : vector<16xf32>
          %add3A_308 = arith.addf %add3A_296, %mul3A_307 : vector<16xf32>
          %mul3A_309 = arith.mulf %get3A_303, %get3A_303 : vector<16xf32>
          %add3A_310 = arith.addf %add3A_298, %mul3A_309 : vector<16xf32>
          %mul3A_311 = arith.mulf %get3A_306, %get3A_306 : vector<16xf32>
          %add3A_312 = arith.addf %add3A_300, %mul3A_311 : vector<16xf32>
          %get3A_313 = arith.index_cast %add3A_253 : i32 to index
          %get3A_314 = arith.constant 80 : index
          %get3A_315 = tpu.vector_load %arg10[%get3A_313, %get3A_314] {strides = array<i32>} : memref<80x128xf32, #tpu.memory_space<vmem>>, vector<16xf32>,
          %get3A_316 = arith.index_cast %add3A_253 : i32 to index
          %get3A_317 = arith.constant 80 : index
          %get3A_318 = tpu.vector_load %arg15[%get3A_316, %get3A_317] {strides = array<i32>} : memref<80x128xf32, #tpu.memory_space<vmem>>, vector<16xf32>,
          %mul3A_319 = arith.mulf %get3A_315, %get3A_318 : vector<16xf32>
          %add3A_320 = arith.addf %add3A_308, %mul3A_319 : vector<16xf32>
          %mul3A_321 = arith.mulf %get3A_315, %get3A_315 : vector<16xf32>
          %add3A_322 = arith.addf %add3A_310, %mul3A_321 : vector<16xf32>
          %mul3A_323 = arith.mulf %get3A_318, %get3A_318 : vector<16xf32>
          %add3A_324 = arith.addf %add3A_312, %mul3A_323 : vector<16xf32>
          %get3A_325 = arith.index_cast %add3A_253 : i32 to index
          %get3A_326 = arith.constant 96 : index
          %get3A_327 = tpu.vector_load %arg10[%get3A_325, %get3A_326] {strides = array<i32>} : memref<80x128xf32, #tpu.memory_space<vmem>>, vector<16xf32>,
          %get3A_328 = arith.index_cast %add3A_253 : i32 to index
          %get3A_329 = arith.constant 96 : index
          %get3A_330 = tpu.vector_load %arg15[%get3A_328, %get3A_329] {strides = array<i32>} : memref<80x128xf32, #tpu.memory_space<vmem>>, vector<16xf32>,
          %mul3A_331 = arith.mulf %get3A_327, %get3A_330 : vector<16xf32>
          %add3A_332 = arith.addf %add3A_320, %mul3A_331 : vector<16xf32>
          %mul3A_333 = arith.mulf %get3A_327, %get3A_327 : vector<16xf32>
          %add3A_334 = arith.addf %add3A_322, %mul3A_333 : vector<16xf32>
          %mul3A_335 = arith.mulf %get3A_330, %get3A_330 : vector<16xf32>
          %add3A_336 = arith.addf %add3A_324, %mul3A_335 : vector<16xf32>
          %get3A_337 = arith.index_cast %add3A_253 : i32 to index
          %get3A_338 = arith.constant 112 : index
          %get3A_339 = tpu.vector_load %arg10[%get3A_337, %get3A_338] {strides = array<i32>} : memref<80x128xf32, #tpu.memory_space<vmem>>, vector<16xf32>,
          %get3A_340 = arith.index_cast %add3A_253 : i32 to index
          %get3A_341 = arith.constant 112 : index
          %get3A_342 = tpu.vector_load %arg15[%get3A_340, %get3A_341] {strides = array<i32>} : memref<80x128xf32, #tpu.memory_space<vmem>>, vector<16xf32>,
          %mul3A_343 = arith.mulf %get3A_339, %get3A_342 : vector<16xf32>
          %add3A_344 = arith.addf %add3A_332, %mul3A_343 : vector<16xf32>
          %mul3A_345 = arith.mulf %get3A_339, %get3A_339 : vector<16xf32>
          %add3A_346 = arith.addf %add3A_334, %mul3A_345 : vector<16xf32>
          %mul3A_347 = arith.mulf %get3A_342, %get3A_342 : vector<16xf32>
          %add3A_348 = arith.addf %add3A_336, %mul3A_347 : vector<16xf32>
          %eq3A = vector.broadcast %scan3A_247 : i32 to vector<16xi32>
          %eq3A_349 = arith.cmpi eq, %iota3A, %eq3A : vector<16xi32>
          %reduce_sum3A = arith.constant true
          %reduce_sum3A_350 = vector.broadcast %reduce_sum3A : i1 to vector<16xi1>
          %reduce_sum3A_351 = tpu.scan <sum>, %add3A_344 masked %reduce_sum3A_350 : vector<16xf32>, vector<16xi1> -> vector<16xf32>
          %reduce_sum3A_352 = vector.extract %reduce_sum3A_351[15] : f32 from vector<16xf32>
          %broadcast_in_dim3A_353 = vector.broadcast %reduce_sum3A_352 : f32 to vector<16xf32>
          %select_n3A = arith.select %eq3A_349, %broadcast_in_dim3A_353, %scan3A_248 : vector<16xi1>, vector<16xf32>
          %reduce_sum3A_354 = arith.constant true
          %reduce_sum3A_355 = vector.broadcast %reduce_sum3A_354 : i1 to vector<16xi1>
          %reduce_sum3A_356 = tpu.scan <sum>, %add3A_346 masked %reduce_sum3A_355 : vector<16xf32>, vector<16xi1> -> vector<16xf32>
          %reduce_sum3A_357 = vector.extract %reduce_sum3A_356[15] : f32 from vector<16xf32>
          %broadcast_in_dim3A_358 = vector.broadcast %reduce_sum3A_357 : f32 to vector<16xf32>
          %select_n3A_359 = arith.select %eq3A_349, %broadcast_in_dim3A_358, %scan3A_249 : vector<16xi1>, vector<16xf32>
          %reduce_sum3A_360 = arith.constant true
          %reduce_sum3A_361 = vector.broadcast %reduce_sum3A_360 : i1 to vector<16xi1>
          %reduce_sum3A_362 = tpu.scan <sum>, %add3A_348 masked %reduce_sum3A_361 : vector<16xf32>, vector<16xi1> -> vector<16xf32>
          %reduce_sum3A_363 = vector.extract %reduce_sum3A_362[15] : f32 from vector<16xf32>
          %broadcast_in_dim3A_364 = vector.broadcast %reduce_sum3A_363 : f32 to vector<16xf32>
          %select_n3A_365 = arith.select %eq3A_349, %broadcast_in_dim3A_364, %scan3A_250 : vector<16xi1>, vector<16xf32>
          scf.yield %select_n3A, %select_n3A_359, %select_n3A_365 : vector<16xf32>, vector<16xf32>, vector<16xf32>
        }
        %scan3A_211 = arith.constant 16 : i32
        %mul3A_212 = arith.mulf %scan3A_210#1, %scan3A_210#2 : vector<16xf32>
        %bitcast_convert_type3A = tpu.bitcast %mul3A_212 : vector<16xf32> -> vector<16xi32>
        %shift_right_logical3A = arith.constant 1 : i32
        %shift_right_logical3A_213 = vector.broadcast %shift_right_logical3A : i32 to vector<16xi32>
        %shift_right_logical3A_214 = arith.shrui %bitcast_convert_type3A, %shift_right_logical3A_213 : vector<16xi32>
        %sub3A = arith.constant 1597463007 : i32
        %sub3A_215 = vector.broadcast %sub3A : i32 to vector<16xi32>
        %sub3A_216 = arith.subi %sub3A_215, %shift_right_logical3A_214 : vector<16xi32>
        %bitcast_convert_type3A_217 = tpu.bitcast %sub3A_216 : vector<16xi32> -> vector<16xf32>
        %mul3A_218 = arith.constant 5.000000e-01 : f32
        %mul3A_219 = vector.broadcast %mul3A_218 : f32 to vector<16xf32>
        %mul3A_220 = arith.mulf %mul3A_219, %mul3A_212 : vector<16xf32>
        %mul3A_221 = arith.mulf %mul3A_220, %bitcast_convert_type3A_217 : vector<16xf32>
        %mul3A_222 = arith.mulf %mul3A_221, %bitcast_convert_type3A_217 : vector<16xf32>
        %sub3A_223 = arith.constant 1.500000e+00 : f32
        %sub3A_224 = vector.broadcast %sub3A_223 : f32 to vector<16xf32>
        %sub3A_225 = arith.subf %sub3A_224, %mul3A_222 : vector<16xf32>
        %mul3A_226 = arith.mulf %bitcast_convert_type3A_217, %sub3A_225 : vector<16xf32>
        %mul3A_227 = arith.constant 5.000000e-01 : f32
        %mul3A_228 = vector.broadcast %mul3A_227 : f32 to vector<16xf32>
        %mul3A_229 = arith.mulf %mul3A_228, %mul3A_212 : vector<16xf32>
        %mul3A_230 = arith.mulf %mul3A_229, %mul3A_226 : vector<16xf32>
        %mul3A_231 = arith.mulf %mul3A_230, %mul3A_226 : vector<16xf32>
        %sub3A_232 = arith.constant 1.500000e+00 : f32
        %sub3A_233 = vector.broadcast %sub3A_232 : f32 to vector<16xf32>
        %sub3A_234 = arith.subf %sub3A_233, %mul3A_231 : vector<16xf32>
        %mul3A_235 = arith.mulf %mul3A_226, %sub3A_234 : vector<16xf32>
        %mul3A_236 = arith.constant 5.000000e-01 : f32
        %mul3A_237 = vector.broadcast %mul3A_236 : f32 to vector<16xf32>
        %mul3A_238 = arith.mulf %mul3A_237, %mul3A_212 : vector<16xf32>
        %mul3A_239 = arith.mulf %mul3A_238, %mul3A_235 : vector<16xf32>
        %mul3A_240 = arith.mulf %mul3A_239, %mul3A_235 : vector<16xf32>
        %sub3A_241 = arith.constant 1.500000e+00 : f32
        %sub3A_242 = vector.broadcast %sub3A_241 : f32 to vector<16xf32>
        %sub3A_243 = arith.subf %sub3A_242, %mul3A_240 : vector<16xf32>
        %mul3A_244 = arith.mulf %mul3A_235, %sub3A_243 : vector<16xf32>
        %mul3A_245 = arith.mulf %scan3A_210#0, %mul3A_244 : vector<16xf32>
        %add3A_246 = arith.addf %scan3A_205, %mul3A_245 : vector<16xf32>
        scf.yield %add3A_246 : vector<16xf32>
      }
      %scan3A_136 = arith.constant 5 : i32
      %add3A_137 = arith.constant 2 : i32
      %add3A_138 = arith.addi %mul3A_62, %add3A_137 : i32
      %add3A_139 = arith.constant 5 : i32
      %add3A_140 = arith.addi %add3A_138, %add3A_139 : i32
      %lt3A_141 = arith.constant 80 : i32
      %lt3A_142 = arith.cmpi slt, %add3A_140, %lt3A_141 : i32
      %convert_element_type3A_143 = arith.extui %lt3A_142 : i1 to i32
      %cond3A_144 = arith.constant 0 : i32
      %cond3A_145 = arith.cmpi ne, %convert_element_type3A_143, %cond3A_144 : i32
      scf.if %cond3A_145 {
        %add3A_204 = arith.constant 2 : i32
        %add3A_205 = arith.addi %mul3A_62, %add3A_204 : i32
        %add3A_206 = arith.constant 5 : i32
        %add3A_207 = arith.addi %add3A_205, %add3A_206 : i32
        %mul3A_208 = arith.constant 80 : i32
        %mul3A_209 = arith.muli %add3A_207, %mul3A_208 : i32
        %dma_start3A_210 = tpu.memref_slice %arg6[%mul3A_209] : memref<6400xi32, #tpu.memory_space<vmem>> -> memref<80xi32, #tpu.memory_space<vmem>>
        %dma_start3A_211 = arith.constant 0 : i32
        %dma_start3A_212 = arith.constant 0 : i32
        %dma_start3A_213 = tpu.memref_slice %arg4[%dma_start3A_211, %dma_start3A_212] : memref<100000x128xf32, #tpu.memory_space<hbm>> -> memref<100000x128xf32, #tpu.memory_space<hbm>>
        tpu.enqueue_indirect_dma source(%dma_start3A_213 : memref<100000x128xf32, #tpu.memory_space<hbm>>) target(%arg10 : memref<80x128xf32, #tpu.memory_space<vmem>>) offsets(%dma_start3A_210 : memref<80xi32, #tpu.memory_space<vmem>>) semaphore(%arg21 : memref<!tpu.dma_semaphore, #tpu.memory_space<semaphore_mem>>)
        %mul3A_214 = arith.constant 80 : i32
        %mul3A_215 = arith.muli %add3A_207, %mul3A_214 : i32
        %dma_start3A_216 = tpu.memref_slice %arg7[%mul3A_215] : memref<6400xi32, #tpu.memory_space<vmem>> -> memref<80xi32, #tpu.memory_space<vmem>>
        %dma_start3A_217 = arith.constant 0 : i32
        %dma_start3A_218 = arith.constant 0 : i32
        %dma_start3A_219 = tpu.memref_slice %arg4[%dma_start3A_217, %dma_start3A_218] : memref<100000x128xf32, #tpu.memory_space<hbm>> -> memref<100000x128xf32, #tpu.memory_space<hbm>>
        tpu.enqueue_indirect_dma source(%dma_start3A_219 : memref<100000x128xf32, #tpu.memory_space<hbm>>) target(%arg15 : memref<80x128xf32, #tpu.memory_space<vmem>>) offsets(%dma_start3A_216 : memref<80xi32, #tpu.memory_space<vmem>>) semaphore(%arg21 : memref<!tpu.dma_semaphore, #tpu.memory_space<semaphore_mem>>)
      } else {
      }
      %add3A_146 = arith.constant 3 : i32
      %add3A_147 = arith.addi %mul3A_62, %add3A_146 : i32
      %mul3A_148 = arith.constant 80 : i32
      %mul3A_149 = arith.muli %add3A_147, %mul3A_148 : i32
      %dma_wait3A_150 = tpu.memref_slice %arg6[%mul3A_149] : memref<6400xi32, #tpu.memory_space<vmem>> -> memref<80xi32, #tpu.memory_space<vmem>>
      %dma_wait3A_151 = arith.constant 0 : i32
      %dma_wait3A_152 = arith.constant 0 : i32
      %dma_wait3A_153 = tpu.memref_slice %arg4[%dma_wait3A_151, %dma_wait3A_152] : memref<100000x128xf32, #tpu.memory_space<hbm>> -> memref<100000x128xf32, #tpu.memory_space<hbm>>
      tpu.wait_indirect_dma semaphore(%arg22 : memref<!tpu.dma_semaphore, #tpu.memory_space<semaphore_mem>>) src(%dma_wait3A_153 : memref<100000x128xf32, #tpu.memory_space<hbm>>) dst(%arg11 : memref<80x128xf32, #tpu.memory_space<vmem>>)
      %mul3A_154 = arith.constant 80 : i32
      %mul3A_155 = arith.muli %add3A_147, %mul3A_154 : i32
      %dma_wait3A_156 = tpu.memref_slice %arg7[%mul3A_155] : memref<6400xi32, #tpu.memory_space<vmem>> -> memref<80xi32, #tpu.memory_space<vmem>>
      %dma_wait3A_157 = arith.constant 0 : i32
      %dma_wait3A_158 = arith.constant 0 : i32
      %dma_wait3A_159 = tpu.memref_slice %arg4[%dma_wait3A_157, %dma_wait3A_158] : memref<100000x128xf32, #tpu.memory_space<hbm>> -> memref<100000x128xf32, #tpu.memory_space<hbm>>
      tpu.wait_indirect_dma semaphore(%arg22 : memref<!tpu.dma_semaphore, #tpu.memory_space<semaphore_mem>>) src(%dma_wait3A_159 : memref<100000x128xf32, #tpu.memory_space<hbm>>) dst(%arg16 : memref<80x128xf32, #tpu.memory_space<vmem>>)
      %scan3A_160 = arith.constant 0 : i32
      %scan3A_161 = arith.constant 5 : i32
      %scan3A_162 = arith.addi %scan3A_160, %scan3A_161 : i32
      %scan3A_163 = arith.constant 1 : i32
      %scan3A_164 = scf.for %scan3A_204 = %scan3A_160 to %scan3A_162 step %scan3A_163 iter_args(%scan3A_205 = %scan3A_135) -> (vector<16xf32>)  : i32 {
        %scan3A_206 = arith.constant 0 : i32
        %scan3A_207 = arith.constant 16 : i32
        %scan3A_208 = arith.addi %scan3A_206, %scan3A_207 : i32
        %scan3A_209 = arith.constant 1 : i32
        %scan3A_210:3 = scf.for %scan3A_247 = %scan3A_206 to %scan3A_208 step %scan3A_209 iter_args(%scan3A_248 = %broadcast_in_dim3A_3, %scan3A_249 = %broadcast_in_dim3A_3, %scan3A_250 = %broadcast_in_dim3A_3) -> (vector<16xf32>, vector<16xf32>, vector<16xf32>)  : i32 {
          %mul3A_251 = arith.constant 16 : i32
          %mul3A_252 = arith.muli %scan3A_204, %mul3A_251 : i32
          %add3A_253 = arith.addi %mul3A_252, %scan3A_247 : i32
          %get3A = arith.index_cast %add3A_253 : i32 to index
          %get3A_254 = arith.constant 0 : index
          %get3A_255 = tpu.vector_load %arg11[%get3A, %get3A_254] {strides = array<i32>} : memref<80x128xf32, #tpu.memory_space<vmem>>, vector<16xf32>,
          %get3A_256 = arith.index_cast %add3A_253 : i32 to index
          %get3A_257 = arith.constant 0 : index
          %get3A_258 = tpu.vector_load %arg16[%get3A_256, %get3A_257] {strides = array<i32>} : memref<80x128xf32, #tpu.memory_space<vmem>>, vector<16xf32>,
          %mul3A_259 = arith.mulf %get3A_255, %get3A_258 : vector<16xf32>
          %add3A_260 = arith.addf %broadcast_in_dim3A_3, %mul3A_259 : vector<16xf32>
          %mul3A_261 = arith.mulf %get3A_255, %get3A_255 : vector<16xf32>
          %add3A_262 = arith.addf %broadcast_in_dim3A_3, %mul3A_261 : vector<16xf32>
          %mul3A_263 = arith.mulf %get3A_258, %get3A_258 : vector<16xf32>
          %add3A_264 = arith.addf %broadcast_in_dim3A_3, %mul3A_263 : vector<16xf32>
          %get3A_265 = arith.index_cast %add3A_253 : i32 to index
          %get3A_266 = arith.constant 16 : index
          %get3A_267 = tpu.vector_load %arg11[%get3A_265, %get3A_266] {strides = array<i32>} : memref<80x128xf32, #tpu.memory_space<vmem>>, vector<16xf32>,
          %get3A_268 = arith.index_cast %add3A_253 : i32 to index
          %get3A_269 = arith.constant 16 : index
          %get3A_270 = tpu.vector_load %arg16[%get3A_268, %get3A_269] {strides = array<i32>} : memref<80x128xf32, #tpu.memory_space<vmem>>, vector<16xf32>,
          %mul3A_271 = arith.mulf %get3A_267, %get3A_270 : vector<16xf32>
          %add3A_272 = arith.addf %add3A_260, %mul3A_271 : vector<16xf32>
          %mul3A_273 = arith.mulf %get3A_267, %get3A_267 : vector<16xf32>
          %add3A_274 = arith.addf %add3A_262, %mul3A_273 : vector<16xf32>
          %mul3A_275 = arith.mulf %get3A_270, %get3A_270 : vector<16xf32>
          %add3A_276 = arith.addf %add3A_264, %mul3A_275 : vector<16xf32>
          %get3A_277 = arith.index_cast %add3A_253 : i32 to index
          %get3A_278 = arith.constant 32 : index
          %get3A_279 = tpu.vector_load %arg11[%get3A_277, %get3A_278] {strides = array<i32>} : memref<80x128xf32, #tpu.memory_space<vmem>>, vector<16xf32>,
          %get3A_280 = arith.index_cast %add3A_253 : i32 to index
          %get3A_281 = arith.constant 32 : index
          %get3A_282 = tpu.vector_load %arg16[%get3A_280, %get3A_281] {strides = array<i32>} : memref<80x128xf32, #tpu.memory_space<vmem>>, vector<16xf32>,
          %mul3A_283 = arith.mulf %get3A_279, %get3A_282 : vector<16xf32>
          %add3A_284 = arith.addf %add3A_272, %mul3A_283 : vector<16xf32>
          %mul3A_285 = arith.mulf %get3A_279, %get3A_279 : vector<16xf32>
          %add3A_286 = arith.addf %add3A_274, %mul3A_285 : vector<16xf32>
          %mul3A_287 = arith.mulf %get3A_282, %get3A_282 : vector<16xf32>
          %add3A_288 = arith.addf %add3A_276, %mul3A_287 : vector<16xf32>
          %get3A_289 = arith.index_cast %add3A_253 : i32 to index
          %get3A_290 = arith.constant 48 : index
          %get3A_291 = tpu.vector_load %arg11[%get3A_289, %get3A_290] {strides = array<i32>} : memref<80x128xf32, #tpu.memory_space<vmem>>, vector<16xf32>,
          %get3A_292 = arith.index_cast %add3A_253 : i32 to index
          %get3A_293 = arith.constant 48 : index
          %get3A_294 = tpu.vector_load %arg16[%get3A_292, %get3A_293] {strides = array<i32>} : memref<80x128xf32, #tpu.memory_space<vmem>>, vector<16xf32>,
          %mul3A_295 = arith.mulf %get3A_291, %get3A_294 : vector<16xf32>
          %add3A_296 = arith.addf %add3A_284, %mul3A_295 : vector<16xf32>
          %mul3A_297 = arith.mulf %get3A_291, %get3A_291 : vector<16xf32>
          %add3A_298 = arith.addf %add3A_286, %mul3A_297 : vector<16xf32>
          %mul3A_299 = arith.mulf %get3A_294, %get3A_294 : vector<16xf32>
          %add3A_300 = arith.addf %add3A_288, %mul3A_299 : vector<16xf32>
          %get3A_301 = arith.index_cast %add3A_253 : i32 to index
          %get3A_302 = arith.constant 64 : index
          %get3A_303 = tpu.vector_load %arg11[%get3A_301, %get3A_302] {strides = array<i32>} : memref<80x128xf32, #tpu.memory_space<vmem>>, vector<16xf32>,
          %get3A_304 = arith.index_cast %add3A_253 : i32 to index
          %get3A_305 = arith.constant 64 : index
          %get3A_306 = tpu.vector_load %arg16[%get3A_304, %get3A_305] {strides = array<i32>} : memref<80x128xf32, #tpu.memory_space<vmem>>, vector<16xf32>,
          %mul3A_307 = arith.mulf %get3A_303, %get3A_306 : vector<16xf32>
          %add3A_308 = arith.addf %add3A_296, %mul3A_307 : vector<16xf32>
          %mul3A_309 = arith.mulf %get3A_303, %get3A_303 : vector<16xf32>
          %add3A_310 = arith.addf %add3A_298, %mul3A_309 : vector<16xf32>
          %mul3A_311 = arith.mulf %get3A_306, %get3A_306 : vector<16xf32>
          %add3A_312 = arith.addf %add3A_300, %mul3A_311 : vector<16xf32>
          %get3A_313 = arith.index_cast %add3A_253 : i32 to index
          %get3A_314 = arith.constant 80 : index
          %get3A_315 = tpu.vector_load %arg11[%get3A_313, %get3A_314] {strides = array<i32>} : memref<80x128xf32, #tpu.memory_space<vmem>>, vector<16xf32>,
          %get3A_316 = arith.index_cast %add3A_253 : i32 to index
          %get3A_317 = arith.constant 80 : index
          %get3A_318 = tpu.vector_load %arg16[%get3A_316, %get3A_317] {strides = array<i32>} : memref<80x128xf32, #tpu.memory_space<vmem>>, vector<16xf32>,
          %mul3A_319 = arith.mulf %get3A_315, %get3A_318 : vector<16xf32>
          %add3A_320 = arith.addf %add3A_308, %mul3A_319 : vector<16xf32>
          %mul3A_321 = arith.mulf %get3A_315, %get3A_315 : vector<16xf32>
          %add3A_322 = arith.addf %add3A_310, %mul3A_321 : vector<16xf32>
          %mul3A_323 = arith.mulf %get3A_318, %get3A_318 : vector<16xf32>
          %add3A_324 = arith.addf %add3A_312, %mul3A_323 : vector<16xf32>
          %get3A_325 = arith.index_cast %add3A_253 : i32 to index
          %get3A_326 = arith.constant 96 : index
          %get3A_327 = tpu.vector_load %arg11[%get3A_325, %get3A_326] {strides = array<i32>} : memref<80x128xf32, #tpu.memory_space<vmem>>, vector<16xf32>,
          %get3A_328 = arith.index_cast %add3A_253 : i32 to index
          %get3A_329 = arith.constant 96 : index
          %get3A_330 = tpu.vector_load %arg16[%get3A_328, %get3A_329] {strides = array<i32>} : memref<80x128xf32, #tpu.memory_space<vmem>>, vector<16xf32>,
          %mul3A_331 = arith.mulf %get3A_327, %get3A_330 : vector<16xf32>
          %add3A_332 = arith.addf %add3A_320, %mul3A_331 : vector<16xf32>
          %mul3A_333 = arith.mulf %get3A_327, %get3A_327 : vector<16xf32>
          %add3A_334 = arith.addf %add3A_322, %mul3A_333 : vector<16xf32>
          %mul3A_335 = arith.mulf %get3A_330, %get3A_330 : vector<16xf32>
          %add3A_336 = arith.addf %add3A_324, %mul3A_335 : vector<16xf32>
          %get3A_337 = arith.index_cast %add3A_253 : i32 to index
          %get3A_338 = arith.constant 112 : index
          %get3A_339 = tpu.vector_load %arg11[%get3A_337, %get3A_338] {strides = array<i32>} : memref<80x128xf32, #tpu.memory_space<vmem>>, vector<16xf32>,
          %get3A_340 = arith.index_cast %add3A_253 : i32 to index
          %get3A_341 = arith.constant 112 : index
          %get3A_342 = tpu.vector_load %arg16[%get3A_340, %get3A_341] {strides = array<i32>} : memref<80x128xf32, #tpu.memory_space<vmem>>, vector<16xf32>,
          %mul3A_343 = arith.mulf %get3A_339, %get3A_342 : vector<16xf32>
          %add3A_344 = arith.addf %add3A_332, %mul3A_343 : vector<16xf32>
          %mul3A_345 = arith.mulf %get3A_339, %get3A_339 : vector<16xf32>
          %add3A_346 = arith.addf %add3A_334, %mul3A_345 : vector<16xf32>
          %mul3A_347 = arith.mulf %get3A_342, %get3A_342 : vector<16xf32>
          %add3A_348 = arith.addf %add3A_336, %mul3A_347 : vector<16xf32>
          %eq3A = vector.broadcast %scan3A_247 : i32 to vector<16xi32>
          %eq3A_349 = arith.cmpi eq, %iota3A, %eq3A : vector<16xi32>
          %reduce_sum3A = arith.constant true
          %reduce_sum3A_350 = vector.broadcast %reduce_sum3A : i1 to vector<16xi1>
          %reduce_sum3A_351 = tpu.scan <sum>, %add3A_344 masked %reduce_sum3A_350 : vector<16xf32>, vector<16xi1> -> vector<16xf32>
          %reduce_sum3A_352 = vector.extract %reduce_sum3A_351[15] : f32 from vector<16xf32>
          %broadcast_in_dim3A_353 = vector.broadcast %reduce_sum3A_352 : f32 to vector<16xf32>
          %select_n3A = arith.select %eq3A_349, %broadcast_in_dim3A_353, %scan3A_248 : vector<16xi1>, vector<16xf32>
          %reduce_sum3A_354 = arith.constant true
          %reduce_sum3A_355 = vector.broadcast %reduce_sum3A_354 : i1 to vector<16xi1>
          %reduce_sum3A_356 = tpu.scan <sum>, %add3A_346 masked %reduce_sum3A_355 : vector<16xf32>, vector<16xi1> -> vector<16xf32>
          %reduce_sum3A_357 = vector.extract %reduce_sum3A_356[15] : f32 from vector<16xf32>
          %broadcast_in_dim3A_358 = vector.broadcast %reduce_sum3A_357 : f32 to vector<16xf32>
          %select_n3A_359 = arith.select %eq3A_349, %broadcast_in_dim3A_358, %scan3A_249 : vector<16xi1>, vector<16xf32>
          %reduce_sum3A_360 = arith.constant true
          %reduce_sum3A_361 = vector.broadcast %reduce_sum3A_360 : i1 to vector<16xi1>
          %reduce_sum3A_362 = tpu.scan <sum>, %add3A_348 masked %reduce_sum3A_361 : vector<16xf32>, vector<16xi1> -> vector<16xf32>
          %reduce_sum3A_363 = vector.extract %reduce_sum3A_362[15] : f32 from vector<16xf32>
          %broadcast_in_dim3A_364 = vector.broadcast %reduce_sum3A_363 : f32 to vector<16xf32>
          %select_n3A_365 = arith.select %eq3A_349, %broadcast_in_dim3A_364, %scan3A_250 : vector<16xi1>, vector<16xf32>
          scf.yield %select_n3A, %select_n3A_359, %select_n3A_365 : vector<16xf32>, vector<16xf32>, vector<16xf32>
        }
        %scan3A_211 = arith.constant 16 : i32
        %mul3A_212 = arith.mulf %scan3A_210#1, %scan3A_210#2 : vector<16xf32>
        %bitcast_convert_type3A = tpu.bitcast %mul3A_212 : vector<16xf32> -> vector<16xi32>
        %shift_right_logical3A = arith.constant 1 : i32
        %shift_right_logical3A_213 = vector.broadcast %shift_right_logical3A : i32 to vector<16xi32>
        %shift_right_logical3A_214 = arith.shrui %bitcast_convert_type3A, %shift_right_logical3A_213 : vector<16xi32>
        %sub3A = arith.constant 1597463007 : i32
        %sub3A_215 = vector.broadcast %sub3A : i32 to vector<16xi32>
        %sub3A_216 = arith.subi %sub3A_215, %shift_right_logical3A_214 : vector<16xi32>
        %bitcast_convert_type3A_217 = tpu.bitcast %sub3A_216 : vector<16xi32> -> vector<16xf32>
        %mul3A_218 = arith.constant 5.000000e-01 : f32
        %mul3A_219 = vector.broadcast %mul3A_218 : f32 to vector<16xf32>
        %mul3A_220 = arith.mulf %mul3A_219, %mul3A_212 : vector<16xf32>
        %mul3A_221 = arith.mulf %mul3A_220, %bitcast_convert_type3A_217 : vector<16xf32>
        %mul3A_222 = arith.mulf %mul3A_221, %bitcast_convert_type3A_217 : vector<16xf32>
        %sub3A_223 = arith.constant 1.500000e+00 : f32
        %sub3A_224 = vector.broadcast %sub3A_223 : f32 to vector<16xf32>
        %sub3A_225 = arith.subf %sub3A_224, %mul3A_222 : vector<16xf32>
        %mul3A_226 = arith.mulf %bitcast_convert_type3A_217, %sub3A_225 : vector<16xf32>
        %mul3A_227 = arith.constant 5.000000e-01 : f32
        %mul3A_228 = vector.broadcast %mul3A_227 : f32 to vector<16xf32>
        %mul3A_229 = arith.mulf %mul3A_228, %mul3A_212 : vector<16xf32>
        %mul3A_230 = arith.mulf %mul3A_229, %mul3A_226 : vector<16xf32>
        %mul3A_231 = arith.mulf %mul3A_230, %mul3A_226 : vector<16xf32>
        %sub3A_232 = arith.constant 1.500000e+00 : f32
        %sub3A_233 = vector.broadcast %sub3A_232 : f32 to vector<16xf32>
        %sub3A_234 = arith.subf %sub3A_233, %mul3A_231 : vector<16xf32>
        %mul3A_235 = arith.mulf %mul3A_226, %sub3A_234 : vector<16xf32>
        %mul3A_236 = arith.constant 5.000000e-01 : f32
        %mul3A_237 = vector.broadcast %mul3A_236 : f32 to vector<16xf32>
        %mul3A_238 = arith.mulf %mul3A_237, %mul3A_212 : vector<16xf32>
        %mul3A_239 = arith.mulf %mul3A_238, %mul3A_235 : vector<16xf32>
        %mul3A_240 = arith.mulf %mul3A_239, %mul3A_235 : vector<16xf32>
        %sub3A_241 = arith.constant 1.500000e+00 : f32
        %sub3A_242 = vector.broadcast %sub3A_241 : f32 to vector<16xf32>
        %sub3A_243 = arith.subf %sub3A_242, %mul3A_240 : vector<16xf32>
        %mul3A_244 = arith.mulf %mul3A_235, %sub3A_243 : vector<16xf32>
        %mul3A_245 = arith.mulf %scan3A_210#0, %mul3A_244 : vector<16xf32>
        %add3A_246 = arith.addf %scan3A_205, %mul3A_245 : vector<16xf32>
        scf.yield %add3A_246 : vector<16xf32>
      }
      %scan3A_165 = arith.constant 5 : i32
      %add3A_166 = arith.constant 3 : i32
      %add3A_167 = arith.addi %mul3A_62, %add3A_166 : i32
      %add3A_168 = arith.constant 5 : i32
      %add3A_169 = arith.addi %add3A_167, %add3A_168 : i32
      %lt3A_170 = arith.constant 80 : i32
      %lt3A_171 = arith.cmpi slt, %add3A_169, %lt3A_170 : i32
      %convert_element_type3A_172 = arith.extui %lt3A_171 : i1 to i32
      %cond3A_173 = arith.constant 0 : i32
      %cond3A_174 = arith.cmpi ne, %convert_element_type3A_172, %cond3A_173 : i32
      scf.if %cond3A_174 {
        %add3A_204 = arith.constant 3 : i32
        %add3A_205 = arith.addi %mul3A_62, %add3A_204 : i32
        %add3A_206 = arith.constant 5 : i32
        %add3A_207 = arith.addi %add3A_205, %add3A_206 : i32
        %mul3A_208 = arith.constant 80 : i32
        %mul3A_209 = arith.muli %add3A_207, %mul3A_208 : i32
        %dma_start3A_210 = tpu.memref_slice %arg6[%mul3A_209] : memref<6400xi32, #tpu.memory_space<vmem>> -> memref<80xi32, #tpu.memory_space<vmem>>
        %dma_start3A_211 = arith.constant 0 : i32
        %dma_start3A_212 = arith.constant 0 : i32
        %dma_start3A_213 = tpu.memref_slice %arg4[%dma_start3A_211, %dma_start3A_212] : memref<100000x128xf32, #tpu.memory_space<hbm>> -> memref<100000x128xf32, #tpu.memory_space<hbm>>
        tpu.enqueue_indirect_dma source(%dma_start3A_213 : memref<100000x128xf32, #tpu.memory_space<hbm>>) target(%arg11 : memref<80x128xf32, #tpu.memory_space<vmem>>) offsets(%dma_start3A_210 : memref<80xi32, #tpu.memory_space<vmem>>) semaphore(%arg22 : memref<!tpu.dma_semaphore, #tpu.memory_space<semaphore_mem>>)
        %mul3A_214 = arith.constant 80 : i32
        %mul3A_215 = arith.muli %add3A_207, %mul3A_214 : i32
        %dma_start3A_216 = tpu.memref_slice %arg7[%mul3A_215] : memref<6400xi32, #tpu.memory_space<vmem>> -> memref<80xi32, #tpu.memory_space<vmem>>
        %dma_start3A_217 = arith.constant 0 : i32
        %dma_start3A_218 = arith.constant 0 : i32
        %dma_start3A_219 = tpu.memref_slice %arg4[%dma_start3A_217, %dma_start3A_218] : memref<100000x128xf32, #tpu.memory_space<hbm>> -> memref<100000x128xf32, #tpu.memory_space<hbm>>
        tpu.enqueue_indirect_dma source(%dma_start3A_219 : memref<100000x128xf32, #tpu.memory_space<hbm>>) target(%arg16 : memref<80x128xf32, #tpu.memory_space<vmem>>) offsets(%dma_start3A_216 : memref<80xi32, #tpu.memory_space<vmem>>) semaphore(%arg22 : memref<!tpu.dma_semaphore, #tpu.memory_space<semaphore_mem>>)
      } else {
      }
      %add3A_175 = arith.constant 4 : i32
      %add3A_176 = arith.addi %mul3A_62, %add3A_175 : i32
      %mul3A_177 = arith.constant 80 : i32
      %mul3A_178 = arith.muli %add3A_176, %mul3A_177 : i32
      %dma_wait3A_179 = tpu.memref_slice %arg6[%mul3A_178] : memref<6400xi32, #tpu.memory_space<vmem>> -> memref<80xi32, #tpu.memory_space<vmem>>
      %dma_wait3A_180 = arith.constant 0 : i32
      %dma_wait3A_181 = arith.constant 0 : i32
      %dma_wait3A_182 = tpu.memref_slice %arg4[%dma_wait3A_180, %dma_wait3A_181] : memref<100000x128xf32, #tpu.memory_space<hbm>> -> memref<100000x128xf32, #tpu.memory_space<hbm>>
      tpu.wait_indirect_dma semaphore(%arg23 : memref<!tpu.dma_semaphore, #tpu.memory_space<semaphore_mem>>) src(%dma_wait3A_182 : memref<100000x128xf32, #tpu.memory_space<hbm>>) dst(%arg12 : memref<80x128xf32, #tpu.memory_space<vmem>>)
      %mul3A_183 = arith.constant 80 : i32
      %mul3A_184 = arith.muli %add3A_176, %mul3A_183 : i32
      %dma_wait3A_185 = tpu.memref_slice %arg7[%mul3A_184] : memref<6400xi32, #tpu.memory_space<vmem>> -> memref<80xi32, #tpu.memory_space<vmem>>
      %dma_wait3A_186 = arith.constant 0 : i32
      %dma_wait3A_187 = arith.constant 0 : i32
      %dma_wait3A_188 = tpu.memref_slice %arg4[%dma_wait3A_186, %dma_wait3A_187] : memref<100000x128xf32, #tpu.memory_space<hbm>> -> memref<100000x128xf32, #tpu.memory_space<hbm>>
      tpu.wait_indirect_dma semaphore(%arg23 : memref<!tpu.dma_semaphore, #tpu.memory_space<semaphore_mem>>) src(%dma_wait3A_188 : memref<100000x128xf32, #tpu.memory_space<hbm>>) dst(%arg17 : memref<80x128xf32, #tpu.memory_space<vmem>>)
      %scan3A_189 = arith.constant 0 : i32
      %scan3A_190 = arith.constant 5 : i32
      %scan3A_191 = arith.addi %scan3A_189, %scan3A_190 : i32
      %scan3A_192 = arith.constant 1 : i32
      %scan3A_193 = scf.for %scan3A_204 = %scan3A_189 to %scan3A_191 step %scan3A_192 iter_args(%scan3A_205 = %scan3A_164) -> (vector<16xf32>)  : i32 {
        %scan3A_206 = arith.constant 0 : i32
        %scan3A_207 = arith.constant 16 : i32
        %scan3A_208 = arith.addi %scan3A_206, %scan3A_207 : i32
        %scan3A_209 = arith.constant 1 : i32
        %scan3A_210:3 = scf.for %scan3A_247 = %scan3A_206 to %scan3A_208 step %scan3A_209 iter_args(%scan3A_248 = %broadcast_in_dim3A_3, %scan3A_249 = %broadcast_in_dim3A_3, %scan3A_250 = %broadcast_in_dim3A_3) -> (vector<16xf32>, vector<16xf32>, vector<16xf32>)  : i32 {
          %mul3A_251 = arith.constant 16 : i32
          %mul3A_252 = arith.muli %scan3A_204, %mul3A_251 : i32
          %add3A_253 = arith.addi %mul3A_252, %scan3A_247 : i32
          %get3A = arith.index_cast %add3A_253 : i32 to index
          %get3A_254 = arith.constant 0 : index
          %get3A_255 = tpu.vector_load %arg12[%get3A, %get3A_254] {strides = array<i32>} : memref<80x128xf32, #tpu.memory_space<vmem>>, vector<16xf32>,
          %get3A_256 = arith.index_cast %add3A_253 : i32 to index
          %get3A_257 = arith.constant 0 : index
          %get3A_258 = tpu.vector_load %arg17[%get3A_256, %get3A_257] {strides = array<i32>} : memref<80x128xf32, #tpu.memory_space<vmem>>, vector<16xf32>,
          %mul3A_259 = arith.mulf %get3A_255, %get3A_258 : vector<16xf32>
          %add3A_260 = arith.addf %broadcast_in_dim3A_3, %mul3A_259 : vector<16xf32>
          %mul3A_261 = arith.mulf %get3A_255, %get3A_255 : vector<16xf32>
          %add3A_262 = arith.addf %broadcast_in_dim3A_3, %mul3A_261 : vector<16xf32>
          %mul3A_263 = arith.mulf %get3A_258, %get3A_258 : vector<16xf32>
          %add3A_264 = arith.addf %broadcast_in_dim3A_3, %mul3A_263 : vector<16xf32>
          %get3A_265 = arith.index_cast %add3A_253 : i32 to index
          %get3A_266 = arith.constant 16 : index
          %get3A_267 = tpu.vector_load %arg12[%get3A_265, %get3A_266] {strides = array<i32>} : memref<80x128xf32, #tpu.memory_space<vmem>>, vector<16xf32>,
          %get3A_268 = arith.index_cast %add3A_253 : i32 to index
          %get3A_269 = arith.constant 16 : index
          %get3A_270 = tpu.vector_load %arg17[%get3A_268, %get3A_269] {strides = array<i32>} : memref<80x128xf32, #tpu.memory_space<vmem>>, vector<16xf32>,
          %mul3A_271 = arith.mulf %get3A_267, %get3A_270 : vector<16xf32>
          %add3A_272 = arith.addf %add3A_260, %mul3A_271 : vector<16xf32>
          %mul3A_273 = arith.mulf %get3A_267, %get3A_267 : vector<16xf32>
          %add3A_274 = arith.addf %add3A_262, %mul3A_273 : vector<16xf32>
          %mul3A_275 = arith.mulf %get3A_270, %get3A_270 : vector<16xf32>
          %add3A_276 = arith.addf %add3A_264, %mul3A_275 : vector<16xf32>
          %get3A_277 = arith.index_cast %add3A_253 : i32 to index
          %get3A_278 = arith.constant 32 : index
          %get3A_279 = tpu.vector_load %arg12[%get3A_277, %get3A_278] {strides = array<i32>} : memref<80x128xf32, #tpu.memory_space<vmem>>, vector<16xf32>,
          %get3A_280 = arith.index_cast %add3A_253 : i32 to index
          %get3A_281 = arith.constant 32 : index
          %get3A_282 = tpu.vector_load %arg17[%get3A_280, %get3A_281] {strides = array<i32>} : memref<80x128xf32, #tpu.memory_space<vmem>>, vector<16xf32>,
          %mul3A_283 = arith.mulf %get3A_279, %get3A_282 : vector<16xf32>
          %add3A_284 = arith.addf %add3A_272, %mul3A_283 : vector<16xf32>
          %mul3A_285 = arith.mulf %get3A_279, %get3A_279 : vector<16xf32>
          %add3A_286 = arith.addf %add3A_274, %mul3A_285 : vector<16xf32>
          %mul3A_287 = arith.mulf %get3A_282, %get3A_282 : vector<16xf32>
          %add3A_288 = arith.addf %add3A_276, %mul3A_287 : vector<16xf32>
          %get3A_289 = arith.index_cast %add3A_253 : i32 to index
          %get3A_290 = arith.constant 48 : index
          %get3A_291 = tpu.vector_load %arg12[%get3A_289, %get3A_290] {strides = array<i32>} : memref<80x128xf32, #tpu.memory_space<vmem>>, vector<16xf32>,
          %get3A_292 = arith.index_cast %add3A_253 : i32 to index
          %get3A_293 = arith.constant 48 : index
          %get3A_294 = tpu.vector_load %arg17[%get3A_292, %get3A_293] {strides = array<i32>} : memref<80x128xf32, #tpu.memory_space<vmem>>, vector<16xf32>,
          %mul3A_295 = arith.mulf %get3A_291, %get3A_294 : vector<16xf32>
          %add3A_296 = arith.addf %add3A_284, %mul3A_295 : vector<16xf32>
          %mul3A_297 = arith.mulf %get3A_291, %get3A_291 : vector<16xf32>
          %add3A_298 = arith.addf %add3A_286, %mul3A_297 : vector<16xf32>
          %mul3A_299 = arith.mulf %get3A_294, %get3A_294 : vector<16xf32>
          %add3A_300 = arith.addf %add3A_288, %mul3A_299 : vector<16xf32>
          %get3A_301 = arith.index_cast %add3A_253 : i32 to index
          %get3A_302 = arith.constant 64 : index
          %get3A_303 = tpu.vector_load %arg12[%get3A_301, %get3A_302] {strides = array<i32>} : memref<80x128xf32, #tpu.memory_space<vmem>>, vector<16xf32>,
          %get3A_304 = arith.index_cast %add3A_253 : i32 to index
          %get3A_305 = arith.constant 64 : index
          %get3A_306 = tpu.vector_load %arg17[%get3A_304, %get3A_305] {strides = array<i32>} : memref<80x128xf32, #tpu.memory_space<vmem>>, vector<16xf32>,
          %mul3A_307 = arith.mulf %get3A_303, %get3A_306 : vector<16xf32>
          %add3A_308 = arith.addf %add3A_296, %mul3A_307 : vector<16xf32>
          %mul3A_309 = arith.mulf %get3A_303, %get3A_303 : vector<16xf32>
          %add3A_310 = arith.addf %add3A_298, %mul3A_309 : vector<16xf32>
          %mul3A_311 = arith.mulf %get3A_306, %get3A_306 : vector<16xf32>
          %add3A_312 = arith.addf %add3A_300, %mul3A_311 : vector<16xf32>
          %get3A_313 = arith.index_cast %add3A_253 : i32 to index
          %get3A_314 = arith.constant 80 : index
          %get3A_315 = tpu.vector_load %arg12[%get3A_313, %get3A_314] {strides = array<i32>} : memref<80x128xf32, #tpu.memory_space<vmem>>, vector<16xf32>,
          %get3A_316 = arith.index_cast %add3A_253 : i32 to index
          %get3A_317 = arith.constant 80 : index
          %get3A_318 = tpu.vector_load %arg17[%get3A_316, %get3A_317] {strides = array<i32>} : memref<80x128xf32, #tpu.memory_space<vmem>>, vector<16xf32>,
          %mul3A_319 = arith.mulf %get3A_315, %get3A_318 : vector<16xf32>
          %add3A_320 = arith.addf %add3A_308, %mul3A_319 : vector<16xf32>
          %mul3A_321 = arith.mulf %get3A_315, %get3A_315 : vector<16xf32>
          %add3A_322 = arith.addf %add3A_310, %mul3A_321 : vector<16xf32>
          %mul3A_323 = arith.mulf %get3A_318, %get3A_318 : vector<16xf32>
          %add3A_324 = arith.addf %add3A_312, %mul3A_323 : vector<16xf32>
          %get3A_325 = arith.index_cast %add3A_253 : i32 to index
          %get3A_326 = arith.constant 96 : index
          %get3A_327 = tpu.vector_load %arg12[%get3A_325, %get3A_326] {strides = array<i32>} : memref<80x128xf32, #tpu.memory_space<vmem>>, vector<16xf32>,
          %get3A_328 = arith.index_cast %add3A_253 : i32 to index
          %get3A_329 = arith.constant 96 : index
          %get3A_330 = tpu.vector_load %arg17[%get3A_328, %get3A_329] {strides = array<i32>} : memref<80x128xf32, #tpu.memory_space<vmem>>, vector<16xf32>,
          %mul3A_331 = arith.mulf %get3A_327, %get3A_330 : vector<16xf32>
          %add3A_332 = arith.addf %add3A_320, %mul3A_331 : vector<16xf32>
          %mul3A_333 = arith.mulf %get3A_327, %get3A_327 : vector<16xf32>
          %add3A_334 = arith.addf %add3A_322, %mul3A_333 : vector<16xf32>
          %mul3A_335 = arith.mulf %get3A_330, %get3A_330 : vector<16xf32>
          %add3A_336 = arith.addf %add3A_324, %mul3A_335 : vector<16xf32>
          %get3A_337 = arith.index_cast %add3A_253 : i32 to index
          %get3A_338 = arith.constant 112 : index
          %get3A_339 = tpu.vector_load %arg12[%get3A_337, %get3A_338] {strides = array<i32>} : memref<80x128xf32, #tpu.memory_space<vmem>>, vector<16xf32>,
          %get3A_340 = arith.index_cast %add3A_253 : i32 to index
          %get3A_341 = arith.constant 112 : index
          %get3A_342 = tpu.vector_load %arg17[%get3A_340, %get3A_341] {strides = array<i32>} : memref<80x128xf32, #tpu.memory_space<vmem>>, vector<16xf32>,
          %mul3A_343 = arith.mulf %get3A_339, %get3A_342 : vector<16xf32>
          %add3A_344 = arith.addf %add3A_332, %mul3A_343 : vector<16xf32>
          %mul3A_345 = arith.mulf %get3A_339, %get3A_339 : vector<16xf32>
          %add3A_346 = arith.addf %add3A_334, %mul3A_345 : vector<16xf32>
          %mul3A_347 = arith.mulf %get3A_342, %get3A_342 : vector<16xf32>
          %add3A_348 = arith.addf %add3A_336, %mul3A_347 : vector<16xf32>
          %eq3A = vector.broadcast %scan3A_247 : i32 to vector<16xi32>
          %eq3A_349 = arith.cmpi eq, %iota3A, %eq3A : vector<16xi32>
          %reduce_sum3A = arith.constant true
          %reduce_sum3A_350 = vector.broadcast %reduce_sum3A : i1 to vector<16xi1>
          %reduce_sum3A_351 = tpu.scan <sum>, %add3A_344 masked %reduce_sum3A_350 : vector<16xf32>, vector<16xi1> -> vector<16xf32>
          %reduce_sum3A_352 = vector.extract %reduce_sum3A_351[15] : f32 from vector<16xf32>
          %broadcast_in_dim3A_353 = vector.broadcast %reduce_sum3A_352 : f32 to vector<16xf32>
          %select_n3A = arith.select %eq3A_349, %broadcast_in_dim3A_353, %scan3A_248 : vector<16xi1>, vector<16xf32>
          %reduce_sum3A_354 = arith.constant true
          %reduce_sum3A_355 = vector.broadcast %reduce_sum3A_354 : i1 to vector<16xi1>
          %reduce_sum3A_356 = tpu.scan <sum>, %add3A_346 masked %reduce_sum3A_355 : vector<16xf32>, vector<16xi1> -> vector<16xf32>
          %reduce_sum3A_357 = vector.extract %reduce_sum3A_356[15] : f32 from vector<16xf32>
          %broadcast_in_dim3A_358 = vector.broadcast %reduce_sum3A_357 : f32 to vector<16xf32>
          %select_n3A_359 = arith.select %eq3A_349, %broadcast_in_dim3A_358, %scan3A_249 : vector<16xi1>, vector<16xf32>
          %reduce_sum3A_360 = arith.constant true
          %reduce_sum3A_361 = vector.broadcast %reduce_sum3A_360 : i1 to vector<16xi1>
          %reduce_sum3A_362 = tpu.scan <sum>, %add3A_348 masked %reduce_sum3A_361 : vector<16xf32>, vector<16xi1> -> vector<16xf32>
          %reduce_sum3A_363 = vector.extract %reduce_sum3A_362[15] : f32 from vector<16xf32>
          %broadcast_in_dim3A_364 = vector.broadcast %reduce_sum3A_363 : f32 to vector<16xf32>
          %select_n3A_365 = arith.select %eq3A_349, %broadcast_in_dim3A_364, %scan3A_250 : vector<16xi1>, vector<16xf32>
          scf.yield %select_n3A, %select_n3A_359, %select_n3A_365 : vector<16xf32>, vector<16xf32>, vector<16xf32>
        }
        %scan3A_211 = arith.constant 16 : i32
        %mul3A_212 = arith.mulf %scan3A_210#1, %scan3A_210#2 : vector<16xf32>
        %bitcast_convert_type3A = tpu.bitcast %mul3A_212 : vector<16xf32> -> vector<16xi32>
        %shift_right_logical3A = arith.constant 1 : i32
        %shift_right_logical3A_213 = vector.broadcast %shift_right_logical3A : i32 to vector<16xi32>
        %shift_right_logical3A_214 = arith.shrui %bitcast_convert_type3A, %shift_right_logical3A_213 : vector<16xi32>
        %sub3A = arith.constant 1597463007 : i32
        %sub3A_215 = vector.broadcast %sub3A : i32 to vector<16xi32>
        %sub3A_216 = arith.subi %sub3A_215, %shift_right_logical3A_214 : vector<16xi32>
        %bitcast_convert_type3A_217 = tpu.bitcast %sub3A_216 : vector<16xi32> -> vector<16xf32>
        %mul3A_218 = arith.constant 5.000000e-01 : f32
        %mul3A_219 = vector.broadcast %mul3A_218 : f32 to vector<16xf32>
        %mul3A_220 = arith.mulf %mul3A_219, %mul3A_212 : vector<16xf32>
        %mul3A_221 = arith.mulf %mul3A_220, %bitcast_convert_type3A_217 : vector<16xf32>
        %mul3A_222 = arith.mulf %mul3A_221, %bitcast_convert_type3A_217 : vector<16xf32>
        %sub3A_223 = arith.constant 1.500000e+00 : f32
        %sub3A_224 = vector.broadcast %sub3A_223 : f32 to vector<16xf32>
        %sub3A_225 = arith.subf %sub3A_224, %mul3A_222 : vector<16xf32>
        %mul3A_226 = arith.mulf %bitcast_convert_type3A_217, %sub3A_225 : vector<16xf32>
        %mul3A_227 = arith.constant 5.000000e-01 : f32
        %mul3A_228 = vector.broadcast %mul3A_227 : f32 to vector<16xf32>
        %mul3A_229 = arith.mulf %mul3A_228, %mul3A_212 : vector<16xf32>
        %mul3A_230 = arith.mulf %mul3A_229, %mul3A_226 : vector<16xf32>
        %mul3A_231 = arith.mulf %mul3A_230, %mul3A_226 : vector<16xf32>
        %sub3A_232 = arith.constant 1.500000e+00 : f32
        %sub3A_233 = vector.broadcast %sub3A_232 : f32 to vector<16xf32>
        %sub3A_234 = arith.subf %sub3A_233, %mul3A_231 : vector<16xf32>
        %mul3A_235 = arith.mulf %mul3A_226, %sub3A_234 : vector<16xf32>
        %mul3A_236 = arith.constant 5.000000e-01 : f32
        %mul3A_237 = vector.broadcast %mul3A_236 : f32 to vector<16xf32>
        %mul3A_238 = arith.mulf %mul3A_237, %mul3A_212 : vector<16xf32>
        %mul3A_239 = arith.mulf %mul3A_238, %mul3A_235 : vector<16xf32>
        %mul3A_240 = arith.mulf %mul3A_239, %mul3A_235 : vector<16xf32>
        %sub3A_241 = arith.constant 1.500000e+00 : f32
        %sub3A_242 = vector.broadcast %sub3A_241 : f32 to vector<16xf32>
        %sub3A_243 = arith.subf %sub3A_242, %mul3A_240 : vector<16xf32>
        %mul3A_244 = arith.mulf %mul3A_235, %sub3A_243 : vector<16xf32>
        %mul3A_245 = arith.mulf %scan3A_210#0, %mul3A_244 : vector<16xf32>
        %add3A_246 = arith.addf %scan3A_205, %mul3A_245 : vector<16xf32>
        scf.yield %add3A_246 : vector<16xf32>
      }
      %scan3A_194 = arith.constant 5 : i32
      %add3A_195 = arith.constant 4 : i32
      %add3A_196 = arith.addi %mul3A_62, %add3A_195 : i32
      %add3A_197 = arith.constant 5 : i32
      %add3A_198 = arith.addi %add3A_196, %add3A_197 : i32
      %lt3A_199 = arith.constant 80 : i32
      %lt3A_200 = arith.cmpi slt, %add3A_198, %lt3A_199 : i32
      %convert_element_type3A_201 = arith.extui %lt3A_200 : i1 to i32
      %cond3A_202 = arith.constant 0 : i32
      %cond3A_203 = arith.cmpi ne, %convert_element_type3A_201, %cond3A_202 : i32
      scf.if %cond3A_203 {
        %add3A_204 = arith.constant 4 : i32
        %add3A_205 = arith.addi %mul3A_62, %add3A_204 : i32
        %add3A_206 = arith.constant 5 : i32
        %add3A_207 = arith.addi %add3A_205, %add3A_206 : i32
        %mul3A_208 = arith.constant 80 : i32
        %mul3A_209 = arith.muli %add3A_207, %mul3A_208 : i32
        %dma_start3A_210 = tpu.memref_slice %arg6[%mul3A_209] : memref<6400xi32, #tpu.memory_space<vmem>> -> memref<80xi32, #tpu.memory_space<vmem>>
        %dma_start3A_211 = arith.constant 0 : i32
        %dma_start3A_212 = arith.constant 0 : i32
        %dma_start3A_213 = tpu.memref_slice %arg4[%dma_start3A_211, %dma_start3A_212] : memref<100000x128xf32, #tpu.memory_space<hbm>> -> memref<100000x128xf32, #tpu.memory_space<hbm>>
        tpu.enqueue_indirect_dma source(%dma_start3A_213 : memref<100000x128xf32, #tpu.memory_space<hbm>>) target(%arg12 : memref<80x128xf32, #tpu.memory_space<vmem>>) offsets(%dma_start3A_210 : memref<80xi32, #tpu.memory_space<vmem>>) semaphore(%arg23 : memref<!tpu.dma_semaphore, #tpu.memory_space<semaphore_mem>>)
        %mul3A_214 = arith.constant 80 : i32
        %mul3A_215 = arith.muli %add3A_207, %mul3A_214 : i32
        %dma_start3A_216 = tpu.memref_slice %arg7[%mul3A_215] : memref<6400xi32, #tpu.memory_space<vmem>> -> memref<80xi32, #tpu.memory_space<vmem>>
        %dma_start3A_217 = arith.constant 0 : i32
        %dma_start3A_218 = arith.constant 0 : i32
        %dma_start3A_219 = tpu.memref_slice %arg4[%dma_start3A_217, %dma_start3A_218] : memref<100000x128xf32, #tpu.memory_space<hbm>> -> memref<100000x128xf32, #tpu.memory_space<hbm>>
        tpu.enqueue_indirect_dma source(%dma_start3A_219 : memref<100000x128xf32, #tpu.memory_space<hbm>>) target(%arg17 : memref<80x128xf32, #tpu.memory_space<vmem>>) offsets(%dma_start3A_216 : memref<80xi32, #tpu.memory_space<vmem>>) semaphore(%arg23 : memref<!tpu.dma_semaphore, #tpu.memory_space<semaphore_mem>>)
      } else {
      }
      scf.yield %scan3A_193 : vector<16xf32>
    }
    %scan3A_57 = arith.constant 16 : i32
    %swap3A = arith.constant 0 : index
    %swap3A_58 = tpu.vector_load %arg18[%swap3A] {strides = array<i32>} : memref<16xf32, #tpu.memory_space<vmem>>, vector<16xf32>,
    tpu.vector_store %arg18[%swap3A], %scan3A_56 {strides = array<i32>} : memref<16xf32, #tpu.memory_space<vmem>>, vector<16xf32>,
    "tpu.region"() ({
      %run_scoped3A = tpu.sem_alloc : memref<!tpu.dma_semaphore, #tpu.memory_space<semaphore_mem>>
      %dma_start3A_59 = arith.constant 0 : i32
      %dma_start3A_60 = tpu.memref_slice %arg5[%add3A, %dma_start3A_59] : memref<32x16xf32, #tpu.memory_space<hbm>> -> memref<1x16xf32, #tpu.memory_space<hbm>>
      %dma_start3A_61 = tpu.memref_squeeze %dma_start3A_60 : memref<1x16xf32, #tpu.memory_space<hbm>> -> memref<16xf32, #tpu.memory_space<hbm>>
      %dma_start3A_62 = arith.constant 0 : i32
      %dma_start3A_63 = tpu.memref_slice %arg5[%add3A, %dma_start3A_62] : memref<32x16xf32, #tpu.memory_space<hbm>> -> memref<1x16xf32, #tpu.memory_space<hbm>>
      %dma_start3A_64 = tpu.memref_squeeze %dma_start3A_63 : memref<1x16xf32, #tpu.memory_space<hbm>> -> memref<16xf32, #tpu.memory_space<hbm>>
      tpu.enqueue_dma source(%arg18 : memref<16xf32, #tpu.memory_space<vmem>>) target(%dma_start3A_64 : memref<16xf32, #tpu.memory_space<hbm>>) target_semaphore(%run_scoped3A : memref<!tpu.dma_semaphore, #tpu.memory_space<semaphore_mem>>)
      %dma_wait3A = arith.constant 0 : i32
      %dma_wait3A_65 = tpu.memref_slice %arg5[%add3A, %dma_wait3A] : memref<32x16xf32, #tpu.memory_space<hbm>> -> memref<1x16xf32, #tpu.memory_space<hbm>>
      %dma_wait3A_66 = tpu.memref_squeeze %dma_wait3A_65 : memref<1x16xf32, #tpu.memory_space<hbm>> -> memref<16xf32, #tpu.memory_space<hbm>>
      %dma_wait3A_67 = arith.constant 0 : i32
      %dma_wait3A_68 = tpu.memref_slice %arg5[%add3A, %dma_wait3A_67] : memref<32x16xf32, #tpu.memory_space<hbm>> -> memref<1x16xf32, #tpu.memory_space<hbm>>
      %dma_wait3A_69 = tpu.memref_squeeze %dma_wait3A_68 : memref<1x16xf32, #tpu.memory_space<hbm>> -> memref<16xf32, #tpu.memory_space<hbm>>
      tpu.wait_dma2 semaphore(%run_scoped3A : memref<!tpu.dma_semaphore, #tpu.memory_space<semaphore_mem>>) src(%arg18 : memref<16xf32, #tpu.memory_space<vmem>>) dst(%dma_wait3A_69 : memref<16xf32, #tpu.memory_space<hbm>>)
      tpu.yield
    }) : () -> ()
    return
  }
}

module attributes {stable_mosaic.version = 14 : i64} {
  func.func @_tc_finalize_body(%arg0: memref<32x16xf32, #tpu.memory_space<vmem>>, %arg1: memref<1024x2xf32, #tpu.memory_space<vmem>>, %arg2: memref<1024x2xf32, #tpu.memory_space<vmem>>, %arg3: memref<1024x200xf32, #tpu.memory_space<vmem>>, %arg4: memref<1x1xf32, #tpu.memory_space<smem>>, %arg5: memref<1x1xf32, #tpu.memory_space<smem>>, %arg6: memref<1x1xf32, #tpu.memory_space<smem>>, %arg7: memref<1x1xf32, #tpu.memory_space<smem>>) attributes {dimension_semantics = [], scalar_prefetch = 0 : i64, scratch_operands = 0 : i64, tpu.core_type = #tpu.core_type<tc>} {
    %get3A = arith.constant 0 : index
    %get3A_0 = arith.constant 0 : index
    %get3A_1 = vector.load %arg0[%get3A, %get3A_0] : memref<32x16xf32, #tpu.memory_space<vmem>>, vector<32x16xf32>
    %reduce_sum3A = vector.shape_cast %get3A_1 : vector<32x16xf32> to vector<1x32x16xf32>
    %reduce_sum3A_2 = arith.constant dense<0.000000e+00> : vector<1xf32>
    %reduce_sum3A_3 = vector.multi_reduction <add>, %reduce_sum3A, %reduce_sum3A_2 [1, 2] : vector<1x32x16xf32> to vector<1xf32>
    %reduce_sum3A_4 = vector.shape_cast %reduce_sum3A_3 : vector<1xf32> to vector<1x1x1xf32>
    %reduce_sum3A_5 = vector.extract %reduce_sum3A_4[0, 0, 0] : f32 from vector<1x1x1xf32>
    %div3A = arith.constant 2.048000e+05 : f32
    %div3A_6 = arith.divf %reduce_sum3A_5, %div3A : f32
    %get3A_7 = arith.constant 0 : index
    %get3A_8 = arith.constant 0 : index
    %get3A_9 = vector.load %arg1[%get3A_7, %get3A_8] : memref<1024x2xf32, #tpu.memory_space<vmem>>, vector<1024x2xf32>
    %get3A_10 = arith.constant 0 : index
    %get3A_11 = arith.constant 0 : index
    %get3A_12 = vector.load %arg2[%get3A_10, %get3A_11] : memref<1024x2xf32, #tpu.memory_space<vmem>>, vector<1024x2xf32>
    %slice3A = vector.extract_strided_slice %get3A_12 {offsets = [0, 0], sizes = [1024, 1], strides = [1, 1]} : vector<1024x2xf32> to vector<1024x1xf32>
    %slice3A_13 = vector.extract_strided_slice %get3A_12 {offsets = [0, 1], sizes = [1024, 1], strides = [1, 1]} : vector<1024x2xf32> to vector<1024x1xf32>
    %ge3A = arith.cmpf oge, %slice3A, %slice3A_13 : vector<1024x1xf32>
    %slice3A_14 = vector.extract_strided_slice %get3A_9 {offsets = [0, 0], sizes = [1024, 1], strides = [1, 1]} : vector<1024x2xf32> to vector<1024x1xf32>
    %slice3A_15 = vector.extract_strided_slice %get3A_9 {offsets = [0, 1], sizes = [1024, 1], strides = [1, 1]} : vector<1024x2xf32> to vector<1024x1xf32>
    %sub3A = arith.subf %slice3A_14, %slice3A_15 : vector<1024x1xf32>
    %slice3A_16 = vector.extract_strided_slice %get3A_9 {offsets = [0, 1], sizes = [1024, 1], strides = [1, 1]} : vector<1024x2xf32> to vector<1024x1xf32>
    %slice3A_17 = vector.extract_strided_slice %get3A_9 {offsets = [0, 0], sizes = [1024, 1], strides = [1, 1]} : vector<1024x2xf32> to vector<1024x1xf32>
    %sub3A_18 = arith.subf %slice3A_16, %slice3A_17 : vector<1024x1xf32>
    %select_n3A = arith.select %ge3A, %sub3A, %sub3A_18 : vector<1024x1xi1>, vector<1024x1xf32>
    %add3A = arith.constant 5.000000e+00 : f32
    %add3A_19 = vector.broadcast %add3A : f32 to vector<1024x1xf32>
    %add3A_20 = arith.addf %select_n3A, %add3A_19 : vector<1024x1xf32>
    %max3A = arith.constant 0.000000e+00 : f32
    %max3A_21 = vector.broadcast %max3A : f32 to vector<1024x1xf32>
    %max3A_22 = arith.maximumf %add3A_20, %max3A_21 : vector<1024x1xf32>
    %reduce_sum3A_23 = vector.shape_cast %max3A_22 : vector<1024x1xf32> to vector<1x1024x1xf32>
    %reduce_sum3A_24 = arith.constant dense<0.000000e+00> : vector<1xf32>
    %reduce_sum3A_25 = vector.multi_reduction <add>, %reduce_sum3A_23, %reduce_sum3A_24 [1, 2] : vector<1x1024x1xf32> to vector<1xf32>
    %reduce_sum3A_26 = vector.shape_cast %reduce_sum3A_25 : vector<1xf32> to vector<1x1x1xf32>
    %reduce_sum3A_27 = vector.extract %reduce_sum3A_26[0, 0, 0] : f32 from vector<1x1x1xf32>
    %div3A_28 = arith.constant 1.024000e+03 : f32
    %div3A_29 = arith.divf %reduce_sum3A_27, %div3A_28 : f32
    %get3A_30 = arith.constant 0 : index
    %get3A_31 = arith.constant 0 : index
    %get3A_32 = vector.load %arg3[%get3A_30, %get3A_31] : memref<1024x200xf32, #tpu.memory_space<vmem>>, vector<1024x200xf32>
    %reduce_sum3A_33 = arith.constant dense<0.000000e+00> : vector<1024xf32>
    %reduce_sum3A_34 = vector.multi_reduction <add>, %get3A_32, %reduce_sum3A_33 [1] : vector<1024x200xf32> to vector<1024xf32>
    %broadcast_in_dim3A = vector.shape_cast %reduce_sum3A_34 : vector<1024xf32> to vector<1024x1xf32>
    %reduce_sum3A_35 = vector.shape_cast %broadcast_in_dim3A : vector<1024x1xf32> to vector<1x1024x1xf32>
    %reduce_sum3A_36 = arith.constant dense<0.000000e+00> : vector<1xf32>
    %reduce_sum3A_37 = vector.multi_reduction <add>, %reduce_sum3A_35, %reduce_sum3A_36 [1, 2] : vector<1x1024x1xf32> to vector<1xf32>
    %reduce_sum3A_38 = vector.shape_cast %reduce_sum3A_37 : vector<1xf32> to vector<1x1x1xf32>
    %reduce_sum3A_39 = vector.extract %reduce_sum3A_38[0, 0, 0] : f32 from vector<1x1x1xf32>
    %div3A_40 = arith.constant 1.024000e+03 : f32
    %div3A_41 = arith.divf %reduce_sum3A_39, %div3A_40 : f32
    %sub3A_42 = arith.constant 5.000000e+01 : f32
    %sub3A_43 = arith.subf %div3A_41, %sub3A_42 : f32
    %integer_pow3A = arith.mulf %sub3A_43, %sub3A_43 : f32
    %add3A_44 = arith.constant 1.000000e+00 : f32
    %add3A_45 = arith.addf %integer_pow3A, %add3A_44 : f32
    %sub3A_46 = arith.subf %div3A_29, %div3A_6 : f32
    %add3A_47 = arith.addf %sub3A_46, %add3A_45 : f32
    %swap3A = arith.constant 0 : index
    %swap3A_48 = arith.constant 0 : index
    %swap3A_49 = memref.load %arg4[%swap3A, %swap3A_48] : memref<1x1xf32, #tpu.memory_space<smem>>
    memref.store %add3A_47, %arg4[%swap3A, %swap3A_48] : memref<1x1xf32, #tpu.memory_space<smem>>
    %swap3A_50 = arith.constant 0 : index
    %swap3A_51 = arith.constant 0 : index
    %swap3A_52 = memref.load %arg5[%swap3A_50, %swap3A_51] : memref<1x1xf32, #tpu.memory_space<smem>>
    memref.store %div3A_29, %arg5[%swap3A_50, %swap3A_51] : memref<1x1xf32, #tpu.memory_space<smem>>
    %swap3A_53 = arith.constant 0 : index
    %swap3A_54 = arith.constant 0 : index
    %swap3A_55 = memref.load %arg6[%swap3A_53, %swap3A_54] : memref<1x1xf32, #tpu.memory_space<smem>>
    memref.store %div3A_6, %arg6[%swap3A_53, %swap3A_54] : memref<1x1xf32, #tpu.memory_space<smem>>
    %swap3A_56 = arith.constant 0 : index
    %swap3A_57 = arith.constant 0 : index
    %swap3A_58 = memref.load %arg7[%swap3A_56, %swap3A_57] : memref<1x1xf32, #tpu.memory_space<smem>>
    memref.store %add3A_45, %arg7[%swap3A_56, %swap3A_57] : memref<1x1xf32, #tpu.memory_space<smem>>
    return
  }
}

</mosaic_0001>

<sc_bundles>
// kernel: kernel.4.cloned.1.call-start
scs
__scs_entry_jumppad:
0x0: {  	(pc) =	sbr.rel $0x88, $3  }
0x1: {  	(tag) =	ssettag $0x0;
	lr =	simm.s32 $0x1  }
0x2: {  	[smem:$0x3F9B] =	sst lr;
	_ =	strace $0xD0000000  }
0x3: {  	_ = 	snop  }
0x4: {  	_ = 	snop  }
0x5: {  	_ = 	snop  }
0x6: {  	_ = 	snop  }
0x7: {  	_ = 	snop  }
__scs_overlays_trampoline_lowered:
0x8: {  	[smem:$0x3FAA] =	sst s0  }
0x9: {  	[smem:$0x3FAB] =	sst s1  }
0xa: {  	[smem:$0x3FAC] =	sst s2  }
0xb: {  	[smem:$0x3FAD] =	sst s3  }
0xc: {  	[smem:$0x3FAE] =	sst s4  }
0xd: {  	[smem:$0x3FAF] =	sst s5  }
0xe: {  	[smem:$0x3FB0] =	sst s6  }
0xf: {  	[smem:$0x3FB1] =	sst s7  }
0x10: {  	[smem:$0x3FB2] =	sst s8  }
0x11: {  	[smem:$0x3FB3] =	sst s9;
	s0 =	simm.s32 @!p0 $0x0  }
0x12: {  	s1 =	sld [smem:$0x3F99];
	s0 =	simm.s32 @p0 $0x1  }
0x13: {  	[smem:$0x3FB4] =	sst s0;
	s0 =	simm.s32 @!p1 $0x0  }
0x14: {  	s2 =	sld [smem:$0x3F98];
	s0 =	simm.s32 @p1 $0x1  }
0x15: {  	[smem:$0x3FB5] =	sst s0;
	s0 =	simm.s32 @!p2 $0x0  }
0x16: {  	s3 =	sld [smem:$0x3FDB];
	s0 =	simm.s32 @p2 $0x1  }
0x17: {  	s4 =	simm.s32 $0x1BF5;
	[smem:$0x3FB7] =	sst s0  }
0x18: {  	s0 =	sld [smem:$0x3F9A];
	_ =	swait.ge [sflag:s4], $0x0  }
0x19: {  	s7 =	sld [smem:$0x3F9B]  }
0x1a: {  	s8 =	sadd.s32 $0xFFFFE003, lr  }
0x1b: {  	s9 =	sadd.s32 $0xFFFFFEF7, lr;
	s5 =	simm.s32 $0xFFFFFFFF;
	p2 =	slt.u32 s8, $0xFFFFF086  }
0x1c: {  	p1 =	slt.u32 s9, $0xF7A;
	s5 =	simm.s32 @!p2 $0x0  }
0x1d: {  	s5 =	simm.s32 @p1 $0x1;
	p0 =	seq.s32 s7, s2  }
0x1e: {  	s7 =	smul.u32 @!p0 $0xF7A, s2;
	p2 =	seq.s32 @!p0 s5, $0x0  }
0x1f: {  	s9 =	smul.u32 $0xF7A, s1;
	s8 =	simm.s32 @!p0 $0x1BF5;
	p2 =	por !p2, p0  }
0x20: {  	[sflag:s8] =	ssyncset.s32 @!p0 $0xFFFFF086;
	s6 =	sadd.s32 @!p0 s3, s7;
	s7 =	simm.s32 @!p0 $0x108  }
0x21: {  	s3 =	sadd.s32 s3, s9;
	s6 =	sadd.s32 @!p0 $0x88, s6;
	s7 =	simm.s32 @p2 $0x1082  }
0x22: {  	[simem:s7], [sflag:s8] =	dma.local @!p0 [hbm:s6], $0xF7A  }
0x23: {  	s9 =	sor.u32 $0xD0000000, s2;
	s6 =	simm.s32 $0x108;
	_ =	swait.ge @!p0 [sflag:s8], $0x0  }
0x24: {  	s3 =	sadd.s32 $0x88, s3;
	s6 =	simm.s32 @!p1 $0x1082;
	[sflag:s4] =	ssyncset.s32 $0xFFFFF086  }
0x25: {  	[simem:s6], [sflag:s4] =	dma.local [hbm:s3], $0xF7A  }
0x26: {  	[smem:$0x3F9B] =	sst s1;
	(tag) =	ssettag s2;
	_ =	strace s9  }
0x27: {  	s1 =	sld [smem:$0x3FAB]  }
0x28: {  	s2 =	sld [smem:$0x3FAC]  }
0x29: {  	s4 =	sld [smem:$0x3FAE]  }
0x2a: {  	p0 =	seq.s32 s5, $0x0;
	s5 =	sld [smem:$0x3FAF]  }
0x2b: {  	s6 =	sld [smem:$0x3FB0]  }
0x2c: {  	s7 =	sld [smem:$0x3FB1]  }
0x2d: {  	s3 =	simm.s32 $0x108;
	s8 =	sld [smem:$0x3FB2]  }
0x2e: {  	s3 =	simm.s32 @!p0 $0x1082;
	s9 =	sld [smem:$0x3FB3]  }
0x2f: {  	lr =	sadd.s32 s0, s3;
	s0 =	sld [smem:$0x3FAA]  }
0x30: {  	s3 =	sld [smem:$0x3FAD]  }
0x31: {  	[smem:$0x3FB6] =	sst s10  }
0x32: {  	s10 =	sld [smem:$0x3FB4];
	_ =	sdelay $0x3  }
0x33: {  	p0 =	seq.s32 s10, $0x1;
	s10 =	sld [smem:$0x3FB6];
	_ =	sdelay $0x3  }
0x34: {  	[smem:$0x3FB6] =	sst s10  }
0x35: {  	s10 =	sld [smem:$0x3FB5];
	_ =	sdelay $0x3  }
0x36: {  	p1 =	seq.s32 s10, $0x1;
	s10 =	sld [smem:$0x3FB6];
	_ =	sdelay $0x3  }
0x37: {  	[smem:$0x3FB6] =	sst s10  }
0x38: {  	s10 =	sld [smem:$0x3FB7]  }
0x39: {  	_ = 	snop;
	(pc) =	sbr.ind lr, $3  }
0x3a: {  	_ = 	snop  }
0x3b: {  	_ = 	snop  }
0x3c: {  	p2 =	seq.s32 s10, $0x1;
	s10 =	sld [smem:$0x3FB6]  }
0x3d: {  	_ =	shalt  }
0x3e: {  	_ =	shalt  }
0x3f: {  	_ =	shalt  }
0x40: {  	_ =	shalt  }
0x41: {  	_ =	shalt  }
0x42: {  	_ =	shalt  }
0x43: {  	_ =	shalt  }
0x44: {  	_ =	shalt  }
0x45: {  	_ =	shalt  }
0x46: {  	_ =	shalt  }
0x47: {  	_ =	shalt  }
0x48: {  	_ =	shalt  }
0x49: {  	_ =	shalt  }
0x4a: {  	_ =	shalt  }
0x4b: {  	_ =	shalt  }
0x4c: {  	_ =	shalt  }
0x4d: {  	_ =	shalt  }
0x4e: {  	_ =	shalt  }
0x4f: {  	_ =	shalt  }
0x50: {  	_ =	shalt  }
0x51: {  	_ =	shalt  }
0x52: {  	_ =	shalt  }
0x53: {  	_ =	shalt  }
0x54: {  	_ =	shalt  }
0x55: {  	_ =	shalt  }
0x56: {  	_ =	shalt  }
0x57: {  	_ =	shalt  }
0x58: {  	_ =	shalt  }
0x59: {  	_ =	shalt  }
0x5a: {  	_ =	shalt  }
0x5b: {  	_ =	shalt  }
0x5c: {  	_ =	shalt  }
0x5d: {  	_ =	shalt  }
0x5e: {  	_ =	shalt  }
0x5f: {  	_ =	shalt  }
0x60: {  	_ =	shalt  }
0x61: {  	_ =	shalt  }
0x62: {  	_ =	shalt  }
0x63: {  	_ =	shalt  }
0x64: {  	_ =	shalt  }
0x65: {  	_ =	shalt  }
0x66: {  	_ =	shalt  }
0x67: {  	_ =	shalt  }
0x68: {  	_ =	shalt  }
0x69: {  	_ =	shalt  }
0x6a: {  	_ =	shalt  }
0x6b: {  	_ =	shalt  }
0x6c: {  	_ =	shalt  }
0x6d: {  	_ =	shalt  }
0x6e: {  	_ =	shalt  }
0x6f: {  	_ =	shalt  }
0x70: {  	_ =	shalt  }
0x71: {  	_ =	shalt  }
0x72: {  	_ =	shalt  }
0x73: {  	_ =	shalt  }
0x74: {  	_ =	shalt  }
0x75: {  	_ =	shalt  }
0x76: {  	_ =	shalt  }
0x77: {  	_ =	shalt  }
0x78: {  	_ =	shalt  }
0x79: {  	_ =	shalt  }
0x7a: {  	_ =	shalt  }
0x7b: {  	_ =	shalt  }
0x7c: {  	_ =	shalt  }
0x7d: {  	_ =	shalt  }
0x7e: {  	_ =	shalt  }
0x7f: {  	_ =	shalt  }
0x80: {  	_ =	shalt  }
0x81: {  	_ =	shalt  }
0x82: {  	_ =	shalt  }
0x83: {  	_ =	shalt  }
0x84: {  	_ =	shalt  }
0x85: {  	_ =	shalt  }
0x86: {  	_ =	shalt  }
0x87: {  	_ =	shalt  }
.Lfunc_end0:
.L_simem_size_0:
called_computation_lowered:
.L_overlay_start_0:
0x88: {  	s2 =	sld [smem:$0x3FD9]  }
0x89: {  	s3 =	sld [smem:$0x3FFE];
	_ =	sdelay $0x1  }
0x8a: {  	s1 =	srdreg.scid  }
0x8b: {  	s0 =	sand.u32 $0x1, s1  }
0x8c: {  	s17 =	sshll.u32 s0, $0xA;
	s2 =	sadd.s32 s3, s2  }
0x8d: {  	s2 =	sadd.s32 s2, s17  }
0x8e: {  	[smem:$0x3FC2] =	sst s2  }
0x8f: {  	_ = 	snop  }
0x90: {  	s2 =	sld [smem:$0x3FC4];
	(tm) =	ssettm $0x1  }
0x91: {  	s18 =	sld [smem:$0x3FFB];
	_ =	sdelay $0x3  }
0x92: {  	_ =	strace s18  }
0x93: {  	s3 =	sld [smem:$0x3FFC];
	_ =	sdelay $0x3  }
0x94: {  	_ =	strace s3  }
0x95: {  	s3 =	sld [smem:$0x3FFD];
	_ =	sdelay $0x3  }
0x96: {  	_ =	strace s3  }
0x97: {  	_ =	strace $0x8FFFFFFF  }
0x98: {  	s19 =	sld [smem:$0x3FDB];
	_ =	sdelay $0x1  }
0x99: {  	s4 =	simm.s32 $_scs_section_size  }
0x9a: {  	s5 =	simm.s32 $_size__tile_overlayer_lowered;
	s6 =	simm.s32 $_tile_overlayer_lowered  }
0x9b: {  	s22 =	simm.s32 $0x1BFF;
	s21 =	sshll.u32 s6, $0x1;
	s3 =	sadd.s32 s4, s19  }
0x9c: {  	s7 =	simm.s32 $0x0;
	s20 =	sshll.u32 s5, $0x1;
	s5 =	sadd.s32 s21, s3  }
0x9d: {  	[timem:s7], [sflag:s22] =	dma.local [hbm:s5], s20  }
0x9e: {  	_ =	swait.ge [sflag:s22], s20  }
0x9f: {  	s4 =	ssub.s32 $0x0, s20;
	[sflag:s22] =	ssyncset.done $0x0  }
0xa0: {  	[sflag:s22] =	ssyncadd.s32 s4;
	_ =	sdelay $0x1  }
0xa1: {  	s23 =	simm.s32 $0x1B8B  }
0xa2: {  	_ =	swait.ge [sflag:s23], $0x1  }
0xa3: {  	[sflag:s23] =	ssyncset.done $0x0  }
0xa4: {  	s25 =	simm.s32 $0x1B8E;
	s24 =	sld [smem:$0x3FFE];
	[sflag:s23] =	ssyncadd.s32 $0xFFFFFFFF  }
0xa5: {  	s26 =	simm.s32 $execute0_lowered;
	[smem:$0x3FD2] =	sst s25  }
0xa6: {  	s5 =	sshll.u32 s26, $0x1;
	_ =	strace $0x80000046;
	[dreg:$0x1] =	wrdreg $0xFFFFFFFF  }
0xa7: {  	s28 =	simm.s32 $_size_execute0_lowered;
	s3 =	sadd.s32 s3, s5;
	[dreg:$0x0] =	wrdreg $0x0  }
0xa8: {  	s5 =	sshll.u32 s28, $0x1;
	[dreg:$0x2] =	wrdreg s3  }
0xa9: {  	[dreg:$0x3] =	wrdreg s5  }
0xaa: {  	[dreg:$0x4] =	wrdreg $0xC0  }
0xab: {  	_ =	task [dreg:s7], $0x5FFFF  }
0xac: {  	[dreg:$0x1] =	wrdreg $0xFFFFFFFF  }
0xad: {  	[dreg:$0x0] =	wrdreg $0x60  }
0xae: {  	[dreg:$0x2] =	wrdreg s24  }
0xaf: {  	[dreg:$0x3] =	wrdreg s2  }
0xb0: {  	[dreg:$0x4] =	wrdreg $0x9  }
0xb1: {  	_ =	task.clear_ibuf [dreg:s7], $0x5FFFF;
	_ =	strace $0x90000046  }
0xb2: {  	s29 =	simm.s32 $0x9;
	_ =	strace $0x80000048  }
0xb3: {  	_ =	swait.ge [sflag:s29], $0x1  }
0xb4: {  	[sflag:s29] =	ssyncadd.s32 $0xFFFFFFFF  }
0xb5: {  	_ =	strace $0x90000048  }
0xb6: {  	_ =	sfence  }
0xb7: {  	s30 =	sld [smem:$0x0];
	_ =	sdelay $0x2  }
0xb8: {  	s31 =	sshll.u32 s1, $0xD;
	s1 =	sshrl.u32 s1, $0x2  }
0xb9: {  	s3 =	sand.u32 $0x4000, s31;
	s1 =	sadd.s32 s1, s30  }
0xba: {  	s0 =	sor.u32 s3, s0;
	s1 =	sshll.u32 s1, $0x11  }
0xbb: {  	s0 =	sor.u32 s1, s0  }
0xbc: {  	s0 =	sadd.s32 $0x8F2B, s0  }
0xbd: {  	[sflag:s0] =	ssyncadd.remote.s32 $0x1  }
0xbe: {  	_ =	sfence.sel $0xFFFF  }
0xbf: {  	[dreg:$0x0] =	wrdreg $0xFFFFFFFF;
	(pc) =	sbr.abs _section_cstart, $3  }
0xc0: {  	[dreg:$0x1] =	wrdreg $0xFFFFFFFF  }
0xc1: {  	_ =	task.clear_ibuf [dreg:s7], $0x2FFFF;
	_ =	strace $0x9FFFFFFF  }
0xc2: {  	(tm) =	ssettm $0x7FFFFFFF  }
0xc3: {  	_ =	shalt  }
tec
execute0_lowered:
.L_overlay_start_1:
0x0: {  	(tag) =	ssettag $0x1  }
0x1: {  	s0 =	rddreg [dreg:$0x0]  }
0x2: {  	s1 =	srdreg.scid;
	s3 =	stileid.u32  }
0x3: {  	s2 =	rddreg [dreg:$0x1];
	s8 =	simm.s32 $0x6;
	s9 =	simm.s32 $0x1900  }
0x4: {  	s10 =	simm.s32 $0x50;
	s24 =	simm.s32 $0x140;
	s25 =	simm.s32 $0xD200  }
0x5: {  	s26 =	simm.s32 $0x1A40;
	s28 =	simm.s32 $0x19A00;
	s29 =	simm.s32 $0x1  }
0x6: {  	s30 =	simm.s32 $0x2;
	s1 =	sand.u32 $0x1, s1;
	s4 =	sshll.u32 s3, $0x1  }
0x7: {  	s31 =	simm.s32 $0x3;
	s11 =	simm.s32 $0x1C200;
	s4 =	sor.u32 s1, s4  }
0x8: {  	s12 =	simm.s32 $0x0;
	s3 =	simm.s32 $0x0;
	s5 =	smul.u32 $0x320, s4  }
.Ltmp0:
0x9: {  	[smem:$0x7FF] =	sst s3;
	s1 =	ssub.s32 $0x2, s1;
	(pc) =	sbr.rel .LBB2_1-.Ltmp0, $4  }
0xa: {  	_ =	strace $0x80000047;
	s4 =	sshll.u32 s4, $0x4;
	s6 =	sshrl.u32 s1, $0x1  }
0xb: {  	s1 =	ssub.s32 s1, s6;
	s5 =	sadd.s32 s5, s0;
	s0 =	sadd.s32 s4, s0  }
0xc: {  	s7 =	smax.u32 s1, $0x1;
	s1 =	simm.s32 $0x4;
	s4 =	sadd.s32 $0xE00, s5  }
0xd: {  	v0 =	vlaneseq.u32;
	s5 =	sadd.s32 $0x7200, s5;
	s6 =	sadd.s32 $0xD600, s0;
	s0 =	simm.s32 $0x5  }
.LBB2_24:
0xe: {  	s12 =	sadd.s32 $0x1, s12  }
0xf: {  	p0 =	sne.s32 s12, s7  }
.Ltmp1:
0x10: {  	[tilespmem:$0x1C200] =	vst v1;
	(pc) =	sbr.rel @!p0 .LBB2_25-.Ltmp1, $4  }
0x11: {  	[hbm4b:s6+s3] =	stream.linear.scatter [tilespmem:s11], [sflag:$0x6], $0x80, $0x38;
	[tilespmem:$0x1C280] =	vst v63  }
0x12: {  	_ =	swait.ge [sflag:s8], $0x80  }
0x13: {  	[sflag:s8] =	ssyncset.done $0x0  }
0x14: {  	[sflag:s8] =	ssyncadd.s32 $0xFFFFFF80  }
.LBB2_1:
0x15: {  	[tilespmem:s3], [sflag:$0x6] =	stream.linear.gather [hbm4b:s4+s3], $0x1900, $0x38;
	[tilespmem:$0x1C280] =	vst v63  }
0x16: {  	_ =	swait.ge [sflag:s8], $0x1900  }
0x17: {  	[sflag:s8] =	ssyncset.done $0x0  }
0x18: {  	[sflag:s8] =	ssyncadd.s32 $0xFFFFE700  }
0x19: {  	[tilespmem:s9], [sflag:$0x6] =	stream.linear.gather [hbm4b:s5+s3], $0x1900, $0x38;
	[tilespmem:$0x1C280] =	vst v63  }
0x1a: {  	_ =	swait.ge [sflag:s8], $0x1900  }
0x1b: {  	[sflag:s8] =	ssyncset.done $0x0  }
0x1c: {  	s13 =	simm.s32 $0x3200;
	[sflag:s8] =	ssyncadd.s32 $0xFFFFE700  }
0x1d: {  	[tilespmem:s13], [sflag:$0x1] =	stream.indirect.gather [hbm4b:s2+s10], $0x80, s3, s10, $0xb8;
	[tilespmem:$0x1C280] =	vst v63  }
0x1e: {  	s23 =	simm.s32 $0xFA00  }
0x1f: {  	[tilespmem:s23], [sflag:$0x1] =	stream.indirect.gather [hbm4b:s2+s10], $0x80, s9, s10, $0xb8;
	[tilespmem:$0x1C280] =	vst v63  }
0x20: {  	s14 =	simm.s32 $0x5A00  }
0x21: {  	[tilespmem:s14], [sflag:$0x2] =	stream.indirect.gather [hbm4b:s2+s10], $0x80, s10, s10, $0xb8;
	[tilespmem:$0x1C280] =	vst v63  }
0x22: {  	s15 =	simm.s32 $0x1950;
	s14 =	simm.s32 $0x12200  }
0x23: {  	[tilespmem:s14], [sflag:$0x2] =	stream.indirect.gather [hbm4b:s2+s10], $0x80, s15, s10, $0xb8;
	[tilespmem:$0x1C280] =	vst v63  }
0x24: {  	s16 =	simm.s32 $0xA0;
	s17 =	simm.s32 $0x8200  }
0x25: {  	[tilespmem:s17], [sflag:$0x3] =	stream.indirect.gather [hbm4b:s2+s10], $0x80, s16, s10, $0xb8;
	[tilespmem:$0x1C280] =	vst v63  }
0x26: {  	s18 =	simm.s32 $0x19A0;
	s19 =	simm.s32 $0x14A00  }
0x27: {  	[tilespmem:s19], [sflag:$0x3] =	stream.indirect.gather [hbm4b:s2+s10], $0x80, s18, s10, $0xb8;
	[tilespmem:$0x1C280] =	vst v63  }
0x28: {  	s20 =	simm.s32 $0xF0;
	s21 =	simm.s32 $0xAA00  }
0x29: {  	[tilespmem:s21], [sflag:$0x4] =	stream.indirect.gather [hbm4b:s2+s10], $0x80, s20, s10, $0xb8;
	[tilespmem:$0x1C280] =	vst v63  }
0x2a: {  	s22 =	simm.s32 $0x19F0;
	s23 =	simm.s32 $0x17200  }
0x2b: {  	[tilespmem:s23], [sflag:$0x4] =	stream.indirect.gather [hbm4b:s2+s10], $0x80, s22, s10, $0xb8;
	[tilespmem:$0x1C280] =	vst v63  }
0x2c: {  	_ = 	snop  }
0x2d: {  	[tilespmem:s25], [sflag:$0x5] =	stream.indirect.gather [hbm4b:s2+s10], $0x80, s24, s10, $0xb8;
	[tilespmem:$0x1C280] =	vst v63  }
0x2e: {  	s13 =	simm.s32 $0x0  }
0x2f: {  	v1 =	vimm.f32 $0.0e+00;
	[tilespmem:s28], [sflag:$0x5] =	stream.indirect.gather [hbm4b:s2+s10], $0x80, s26, s10, $0xb8;
	[tilespmem:$0x1C280] =	vst v63  }
.LBB2_2:
0x30: {  	_ =	swait.ge [sflag:s29], $0x2800  }
0x31: {  	[sflag:s29] =	ssyncset.done $0x0  }
0x32: {  	[sflag:s29] =	ssyncadd.s32 $0xFFFFD800  }
0x33: {  	_ =	swait.ge [sflag:s29], $0x2800  }
0x34: {  	s14 =	simm.s32 $0x0;
	s15 =	simm.s32 $0x3240;
	[sflag:s29] =	ssyncset.done $0x0  }
0x35: {  	s16 =	simm.s32 $0xFA40;
	s17 =	simm.s32 $0x0;
	[sflag:s29] =	ssyncadd.s32 $0xFFFFD800  }
.LBB2_3:
0x36: {  	v2 =	vld [tilespmem:s15+$0xFFFFFFC0]  }
0x37: {  	v3 =	vld [tilespmem:s16+$0xFFFFFFC0]  }
0x38: {  	v4 =	vld [tilespmem:s15+$0xFFFFFFD0]  }
0x39: {  	v5 =	vld [tilespmem:s16+$0xFFFFFFD0]  }
0x3a: {  	v6 =	vld [tilespmem:s15+$0xFFFFFFE0]  }
0x3b: {  	v7 =	vld [tilespmem:s16+$0xFFFFFFE0]  }
0x3c: {  	v9 =	vld [tilespmem:s15+$0xFFFFFFF0];
	v8 =	vmul.f32 v3, v2  }
0x3d: {  	v10 =	vld [tilespmem:s16+$0xFFFFFFF0]  }
0x3e: {  	v12 =	vld [tilespmem:s15+$0x0];
	v11 =	vmul.f32 v5, v4;
	v8 =	vadd.f32 $0.0e+00, v8  }
0x3f: {  	v13 =	vld [tilespmem:s16+$0x0];
	v2 =	vmul.f32 v2, v2;
	v4 =	vmul.f32 v4, v4  }
0x40: {  	v14 =	vld [tilespmem:s15+$0x10];
	v8 =	vadd.f32 v11, v8;
	v11 =	vmul.f32 v7, v6  }
0x41: {  	v3 =	vmul.f32 v3, v3;
	v2 =	vadd.f32 v4, v2;
	v4 =	vmul.f32 v6, v6;
	v6 =	vld [tilespmem:s16+$0x10]  }
0x42: {  	v15 =	vld [tilespmem:s15+$0x20];
	v5 =	vmul.f32 v5, v5;
	v8 =	vadd.f32 v11, v8;
	v11 =	vmul.f32 v10, v9  }
0x43: {  	v2 =	vadd.f32 v4, v2;
	v4 =	vmul.f32 v9, v9;
	v9 =	vld [tilespmem:s16+$0x20]  }
0x44: {  	v3 =	vadd.f32 v5, v3;
	v5 =	vadd.f32 v11, v8;
	v8 =	vmul.f32 v13, v12;
	v11 =	vld [tilespmem:s15+$0x30]  }
0x45: {  	v2 =	vadd.f32 v4, v2;
	v4 =	vmul.f32 v12, v12;
	v12 =	vld [tilespmem:s16+$0x30]  }
0x46: {  	v5 =	vadd.f32 v8, v5;
	v8 =	vmul.f32 v6, v14  }
0x47: {  	v7 =	vmul.f32 v7, v7  }
0x48: {  	v5 =	vadd.f32 v8, v5;
	v8 =	vmul.f32 v9, v15  }
0x49: {  	v10 =	vmul.f32 v10, v10;
	v3 =	vadd.f32 v7, v3  }
0x4a: {  	s19 =	sadd.s32 $0x80, s15;
	v2 =	vadd.f32 v4, v2;
	v5 =	vadd.f32 v8, v5;
	v8 =	vmul.f32 v12, v11  }
0x4b: {  	s18 =	sadd.s32 $0x80, s16;
	v7 =	vld [tilespmem:s19+$0xFFFFFFC0];
	v4 =	vmul.f32 v14, v14;
	v13 =	vmul.f32 v13, v13;
	v3 =	vadd.f32 v10, v3  }
0x4c: {  	v10 =	vmul.f32 v15, v15;
	v14 =	vld [tilespmem:s18+$0xFFFFFFC0];
	v5 =	vadd.f32 v8, v5  }
0x4d: {  	v4 =	vadd.f32 v4, v2;
	v6 =	vmul.f32 v6, v6;
	v3 =	vadd.f32 v13, v3;
	v15 =	vld [tilespmem:s19+$0xFFFFFFD0]  }
0x4e: {  	v16 =	vld [tilespmem:s18+$0xFFFFFFD0];
	(xrf2) =	vadd.scan.msk.f32 $0xffff, v5  }
0x4f: {  	v4 =	vadd.f32 v10, v4;
	v10 =	vld [tilespmem:s19+$0xFFFFFFE0];
	v9 =	vmul.f32 v9, v9;
	v3 =	vadd.f32 v6, v3  }
0x50: {  	v6 =	vmul.f32 v7, v7;
	v11 =	vmul.f32 v11, v11;
	v8 =	vld [tilespmem:s18+$0xFFFFFFE0]  }
0x51: {  	v13 =	vld [tilespmem:s19+$0xFFFFFFF0];
	v3 =	vadd.f32 v9, v3;
	v12 =	vmul.f32 v12, v12;
	v7 =	vmul.f32 v14, v7  }
0x52: {  	v4 =	vadd.f32 v11, v4;
	v11 =	vmul.f32 v14, v14;
	v14 =	vld [tilespmem:s18+$0xFFFFFFF0];
	v5 =	vmul.f32 v15, v15  }
0x53: {  	v17 =	vld [tilespmem:s19+$0x0];
	v7 =	vadd.f32 $0.0e+00, v7;
	v15 =	vmul.f32 v16, v15;
	v16 =	vmul.f32 v16, v16  }
0x54: {  	v9 =	vld [tilespmem:s18+$0x0];
	v3 =	vadd.f32 v12, v3;
	v5 =	vadd.f32 v5, v6;
	v6 =	vmul.f32 v10, v10  }
0x55: {  	(xrf2) =	vadd.scan.msk.f32 $0xffff, v4;
	v4 =	vadd.f32 v15, v7;
	v7 =	vadd.f32 v16, v11;
	v11 =	vld [tilespmem:s19+$0x10];
	v10 =	vmul.f32 v8, v10  }
0x56: {  	v15 =	vld [tilespmem:s18+$0x10];
	v5 =	vadd.f32 v6, v5;
	v6 =	vmul.f32 v8, v8;
	v8 =	vmul.f32 v13, v13  }
0x57: {  	v4 =	vadd.f32 v10, v4;
	v10 =	vmul.f32 v14, v13;
	v13 =	vmul.f32 v14, v14  }
0x58: {  	v16 =	vld [tilespmem:s19+$0x20];
	v6 =	vadd.f32 v6, v7;
	v5 =	vadd.f32 v8, v5;
	v7 =	vmul.f32 v17, v17;
	v14, _, _ =	vpop (xrf2);
	(xrf2) =	vadd.scan.msk.f32 $0xffff, v3  }
0x59: {  	v8 =	vld [tilespmem:s18+$0x20];
	v4 =	vadd.f32 v10, v4;
	v10 =	vmul.f32 v9, v17  }
0x5a: {  	v9 =	vmul.f32 v9, v9;
	v6 =	vadd.f32 v13, v6;
	v17 =	vadd.f32 v7, v5;
	v7 =	vld [tilespmem:s19+$0x30]  }
0x5b: {  	v2 =	vimm.f32 $0.0e+00;
	v13 =	vmul.f32 v15, v11;
	v11 =	vmul.f32 v11, v11;
	v5 =	vld [tilespmem:s18+$0x30]  }
0x5c: {  	v4 =	vadd.f32 v10, v4;
	v12 =	vadd.f32 v9, v6;
	v6 =	vmov s14  }
0x5d: {  	s20 =	sadd.s32 $0x80, s19;
	v10 =	vmul.f32 v15, v15;
	v15 =	vadd.f32 v11, v17;
	v18 =	vbroadcast v14, $0xF  }
0x5e: {  	s21 =	sadd.s32 $0x80, s18;
	v9 =	vld [tilespmem:s20+$0xFFFFFFC0];
	v13 =	vadd.f32 v13, v4;
	v14 =	vmul.f32 v8, v16;
	vm0 =	veq.s32 v6, v0  }
0x5f: {  	s22 =	simm.s32 $0x3;
	s19 =	simm.s32 $0x1;
	s18 =	simm.s32 $0x2;
	v11 =	vld [tilespmem:s21+$0xFFFFFFC0];
	v16 =	vmul.f32 v16, v16;
	v4 =	vimm.f32 $0.0e+00;
	v3 =	vsel vm0, v18, v2;
	v6, _, _ =	vpop (xrf2)  }
.LBB2_4:
0x60: {  	p0 =	sne.s32 s22, $0xF;
	v17 =	vld [tilespmem:s20+$0xFFFFFFD0];
	v10 =	vadd.f32 v10, v12;
	v12 =	vadd.f32 v14, v13;
	v18 =	vmul.f32 v5, v7  }
0x61: {  	v8 =	vmul.f32 v8, v8;
	v7 =	vmul.f32 v7, v7;
	v14 =	vld [tilespmem:s21+$0xFFFFFFD0];
	v15 =	vadd.f32 v16, v15  }
0x62: {  	v5 =	vmul.f32 v5, v5;
	v6 =	vbroadcast v6, $0xF;
	v16 =	vld [tilespmem:s20+$0xFFFFFFE0];
	v12 =	vadd.f32 v18, v12;
	v13, _, _ =	vpop (xrf2)  }
0x63: {  	v8 =	vadd.f32 v8, v10;
	v18 =	vmul.f32 v9, v9;
	v19 =	vld [tilespmem:s21+$0xFFFFFFE0];
	v7 =	vadd.f32 v7, v15  }
0x64: {  	v2 =	vsel vm0, v6, v2;
	v9 =	vmul.f32 v11, v9;
	v10 =	vmul.f32 v11, v11;
	v11 =	vld [tilespmem:s20+$0xFFFFFFF0];
	(xrf2) =	vadd.scan.msk.f32 $0xffff, v12  }
0x65: {  	v5 =	vadd.f32 v5, v8;
	v8 =	vbroadcast v13, $0xF;
	v6 =	vmul.f32 v17, v17;
	v12 =	vld [tilespmem:s21+$0xFFFFFFF0]  }
0x66: {  	v9 =	vadd.f32 $0.0e+00, v9;
	v13 =	vmul.f32 v14, v17;
	v14 =	vmul.f32 v14, v14;
	v15 =	vld [tilespmem:s20+$0x0]  }
0x67: {  	v4 =	vsel vm0, v8, v4;
	v6 =	vadd.f32 v6, v18;
	v17 =	vmul.f32 v16, v16;
	v18 =	vld [tilespmem:s21+$0x0];
	(xrf2) =	vadd.scan.msk.f32 $0xffff, v7  }
0x68: {  	v7 =	vadd.f32 v13, v9;
	v8 =	vadd.f32 v14, v10;
	v9 =	vmul.f32 v19, v16;
	v10 =	vld [tilespmem:s20+$0x10]  }
0x69: {  	v13 =	vmul.f32 v19, v19;
	v6 =	vadd.f32 v17, v6;
	v14 =	vmul.f32 v11, v11;
	v16 =	vld [tilespmem:s21+$0x10]  }
0x6a: {  	v7 =	vadd.f32 v9, v7;
	v9 =	vmul.f32 v12, v11;
	v11 =	vmul.f32 v12, v12;
	v17 =	vld [tilespmem:s20+$0x20];
	(xrf2) =	vadd.scan.msk.f32 $0xffff, v5  }
0x6b: {  	v5 =	vadd.f32 v13, v8;
	v6 =	vadd.f32 v14, v6;
	v12 =	vmul.f32 v15, v15;
	v8 =	vld [tilespmem:s21+$0x20]  }
0x6c: {  	v19 =	vadd.f32 v9, v7;
	v13 =	vmul.f32 v18, v15;
	v14 =	vmul.f32 v18, v18;
	v7 =	vld [tilespmem:s20+$0x30]  }
.Ltmp2:
0x6d: {  	v11 =	vadd.f32 v11, v5;
	v6 =	vadd.f32 v12, v6;
	v15 =	vmul.f32 v10, v10;
	v5 =	vld [tilespmem:s21+$0x30];
	(pc) =	sbr.rel @p0 .LBB2_4-.Ltmp2, $4  }
0x6e: {  	v13 =	vadd.f32 v13, v19;
	v18 =	vmul.f32 v16, v10;
	v10 =	vmul.f32 v16, v16;
	v9, _, _ =	vpop (xrf2)  }
0x6f: {  	s20 =	sadd.s32 $0x80, s20;
	v12 =	vadd.f32 v14, v11;
	v11 =	vmov s19;
	s19 =	smov.u32 s18;
	s18 =	smov.u32 s22;
	v19 =	vbroadcast v9, $0xF  }
0x70: {  	s21 =	sadd.s32 $0x80, s21;
	vm0 =	veq.s32 v11, v0;
	v9 =	vld [tilespmem:s20+$0xFFFFFFC0];
	v13 =	vadd.f32 v18, v13;
	v14 =	vmul.f32 v8, v17  }
0x71: {  	s22 =	sadd.s32 $0x1, s22;
	v15 =	vadd.f32 v15, v6;
	v16 =	vmul.f32 v17, v17;
	v11 =	vld [tilespmem:s21+$0xFFFFFFC0];
	v3 =	vsel vm0, v19, v3;
	v6, _, _ =	vpop (xrf2)  }
0x72: {  	v17 =	vld [tilespmem:s20+$0xFFFFFFD0]  }
0x73: {  	v18 =	vld [tilespmem:s21+$0xFFFFFFD0]  }
0x74: {  	v55 =	vld [tilespmem:s20+$0xFFFFFFE0]  }
0x75: {  	v56 =	vmul.f32 v5, v7;
	v19 =	vld [tilespmem:s21+$0xFFFFFFE0]  }
0x76: {  	v13 =	vadd.f32 v14, v13;
	v8 =	vmul.f32 v8, v8;
	v20 =	vld [tilespmem:s20+$0xFFFFFFF0];
	v28 =	vmul.f32 v7, v7  }
0x77: {  	v10 =	vadd.f32 v10, v12;
	v21 =	vld [tilespmem:s21+$0xFFFFFFF0];
	v40 =	vmul.f32 v5, v5;
	v58 =	vmul.f32 v11, v9  }
0x78: {  	v22 =	vld [tilespmem:s20+$0x0];
	v15 =	vadd.f32 v16, v15;
	v13 =	vadd.f32 v56, v13;
	v57 =	vmul.f32 v9, v9  }
0x79: {  	v63 =	vld [tilespmem:s21+$0x0];
	v60 =	vmul.f32 v17, v17;
	v17 =	vmul.f32 v18, v17;
	v9 =	vadd.f32 $0.0e+00, v58  }
0x7a: {  	v24 =	vld [tilespmem:s20+$0x10];
	v8 =	vadd.f32 v8, v10;
	v7 =	vadd.f32 v28, v15;
	v59 =	vmul.f32 v11, v11  }
0x7b: {  	v27 =	vld [tilespmem:s21+$0x10];
	v18 =	vmul.f32 v18, v18;
	v12 =	vmul.f32 v19, v55;
	v9 =	vadd.f32 v17, v9  }
0x7c: {  	v30 =	vld [tilespmem:s20+$0x20];
	v62 =	vmul.f32 v55, v55;
	v25 =	vmul.f32 v19, v19;
	v61 =	vadd.f32 v60, v57  }
0x7d: {  	v31 =	vld [tilespmem:s21+$0x20];
	v29 =	vmul.f32 v21, v20;
	v11 =	vadd.f32 v18, v59;
	v9 =	vadd.f32 v12, v9  }
0x7e: {  	v34 =	vld [tilespmem:s20+$0x30];
	v26 =	vmul.f32 v20, v20;
	v21 =	vmul.f32 v21, v21;
	v10 =	vadd.f32 v62, v61  }
0x7f: {  	v36 =	vld [tilespmem:s21+$0x30];
	v33 =	vmul.f32 v63, v22;
	v11 =	vadd.f32 v25, v11;
	v9 =	vadd.f32 v29, v9  }
0x80: {  	v32 =	vmul.f32 v22, v22;
	v35 =	vmul.f32 v63, v63;
	v10 =	vadd.f32 v26, v10  }
0x81: {  	v37 =	vmul.f32 v27, v24;
	v11 =	vadd.f32 v21, v11;
	v9 =	vadd.f32 v33, v9  }
0x82: {  	v38 =	vmul.f32 v24, v24;
	v39 =	vmul.f32 v27, v27;
	v10 =	vadd.f32 v32, v10  }
0x83: {  	v41 =	vmul.f32 v31, v30;
	v11 =	vadd.f32 v35, v11;
	v9 =	vadd.f32 v37, v9  }
0x84: {  	v42 =	vmul.f32 v30, v30;
	v43 =	vmul.f32 v36, v34;
	v10 =	vadd.f32 v38, v10  }
0x85: {  	v14 =	vmul.f32 v31, v31;
	v11 =	vadd.f32 v39, v11;
	v9 =	vadd.f32 v41, v9  }
0x86: {  	(xrf2) =	vadd.scan.msk.f32 $0xffff, v13;
	v5 =	vadd.f32 v40, v8;
	v45 =	vmul.f32 v34, v34;
	v44 =	vadd.f32 v42, v10  }
0x87: {  	(xrf2) =	vadd.scan.msk.f32 $0xffff, v7;
	v47 =	vmul.f32 v36, v36;
	v11 =	vadd.f32 v14, v11;
	v46 =	vadd.f32 v43, v9  }
0x88: {  	(xrf2) =	vadd.scan.msk.f32 $0xffff, v5;
	v48 =	vadd.f32 v45, v44  }
0x89: {  	v49 =	vadd.f32 v47, v11;
	(xrf2) =	vadd.scan.msk.f32 $0xffff, v46  }
0x8a: {  	(xrf2) =	vadd.scan.msk.f32 $0xffff, v48  }
0x8b: {  	(xrf2) =	vadd.scan.msk.f32 $0xffff, v49;
	_ =	sdelay $0x3  }
0x8c: {  	v50, _, _ =	vpop (xrf2)  }
0x8d: {  	v51, _, _ =	vpop (xrf2)  }
0x8e: {  	v52, _, _ =	vpop (xrf2)  }
0x8f: {  	v6 =	vbroadcast v6, $0xF;
	v53, _, _ =	vpop (xrf2)  }
0x90: {  	v55 =	vmov s19;
	v54, _, _ =	vpop (xrf2)  }
0x91: {  	v2 =	vsel vm0, v6, v2;
	v5 =	vbroadcast v50, $0xF;
	vm15 =	veq.s32 v55, v0;
	v56, _, _ =	vpop (xrf2)  }
0x92: {  	v60 =	vmov s18;
	v57 =	vbroadcast v52, $0xF;
	v58 =	vbroadcast v53, $0xF;
	v59, _, _ =	vpop (xrf2)  }
0x93: {  	v4 =	vsel vm0, v5, v4;
	v6 =	vbroadcast v56, $0xF;
	v9 =	vbroadcast v59, $0xF  }
0x94: {  	vm1 =	veq.s32 v60, v0;
	v2 =	vsel vm15, v57, v2;
	v4 =	vsel vm15, v58, v4  }
0x95: {  	v2 =	vsel vm1, v6, v2;
	v4 =	vsel vm1, v9, v4  }
0x96: {  	v2 =	vmul.f32 v4, v2;
	_ =	sdelay $0x1  }
0x97: {  	v4 =	vshrl.u32 v2, $0x1;
	v2 =	vmul.f32 $5.000000000e-01, v2  }
0x98: {  	v4 =	vsub.s32 $0x5F3759DF, v4  }
0x99: {  	v61 =	vmul.f32 v4, v2;
	_ =	sdelay $0x1  }
0x9a: {  	v5 =	vmul.f32 v4, v61;
	_ =	sdelay $0x1  }
0x9b: {  	v5 =	vsub.f32 $1.500000000e+00, v5;
	_ =	sdelay $0x1  }
0x9c: {  	v4 =	vmul.f32 v4, v5;
	_ =	sdelay $0x1  }
0x9d: {  	v5 =	vmul.f32 v4, v2;
	_ =	sdelay $0x1  }
0x9e: {  	v5 =	vmul.f32 v5, v4;
	_ =	sdelay $0x1  }
0x9f: {  	v5 =	vsub.f32 $1.500000000e+00, v5;
	_ =	sdelay $0x1  }
0xa0: {  	v4 =	vmul.f32 v5, v4;
	_ =	sdelay $0x1  }
0xa1: {  	v2 =	vmul.f32 v4, v2;
	_ =	sdelay $0x1  }
0xa2: {  	v2 =	vmul.f32 v2, v4;
	_ =	sdelay $0x1  }
0xa3: {  	s17 =	sadd.s32 $0x1, s17;
	v62 =	vbroadcast v51, $0xF;
	v2 =	vsub.f32 $1.500000000e+00, v2  }
0xa4: {  	p0 =	sne.s32 s17, $0x5;
	v63 =	vbroadcast v54, $0xF  }
.Ltmp3:
0xa5: {  	v3 =	vsel vm15, v62, v3;
	v2 =	vmul.f32 v2, v4;
	(pc) =	sbr.rel @p0 .LBB2_3-.Ltmp3, $3  }
0xa6: {  	v3 =	vsel vm1, v63, v3  }
0xa7: {  	v2 =	vmul.f32 v2, v3;
	_ =	sdelay $0x1  }
0xa8: {  	s15 =	sadd.s32 $0x800, s15;
	s16 =	sadd.s32 $0x800, s16;
	v1 =	vadd.f32 v2, v1  }
0xa9: {  	p0 =	seq.s32 s13, $0xF  }
0xaa: {  	s14 =	smul.u32 @!p0 $0x190, s13;
	_ =	sdelay $0x1  }
0xab: {  	s16 =	simm.s32 @!p0 $0x50;
	s17 =	simm.s32 @!p0 $0x3200;
	s15 =	sadd.s32 @!p0 $0x190, s14  }
0xac: {  	[tilespmem:s17], [sflag:$0x1] =	stream.indirect.gather @!p0 [hbm4b:s2+s16], $0x80, s15, s16, $0xb8;
	[tilespmem:$0x1C280] =	vst v63  }
0xad: {  	s15 =	sadd.s32 @!p0 $0x1A90, s14;
	s17 =	simm.s32 @!p0 $0xFA00  }
0xae: {  	[tilespmem:s17], [sflag:$0x1] =	stream.indirect.gather @!p0 [hbm4b:s2+s16], $0x80, s15, s16, $0xb8;
	[tilespmem:$0x1C280] =	vst v63  }
0xaf: {  	_ =	swait.ge [sflag:s30], $0x2800  }
0xb0: {  	[sflag:s30] =	ssyncset.done $0x0  }
0xb1: {  	[sflag:s30] =	ssyncadd.s32 $0xFFFFD800  }
0xb2: {  	_ =	swait.ge [sflag:s30], $0x2800  }
0xb3: {  	s18 =	simm.s32 $0x0;
	s15 =	simm.s32 $0x0;
	[sflag:s30] =	ssyncset.done $0x0  }
0xb4: {  	s16 =	simm.s32 $0x5A40;
	s17 =	simm.s32 $0x12240;
	[sflag:s30] =	ssyncadd.s32 $0xFFFFD800  }
.LBB2_7:
0xb5: {  	v2 =	vld [tilespmem:s16+$0xFFFFFFC0]  }
0xb6: {  	v3 =	vld [tilespmem:s17+$0xFFFFFFC0]  }
0xb7: {  	v4 =	vld [tilespmem:s16+$0xFFFFFFD0]  }
0xb8: {  	v5 =	vld [tilespmem:s17+$0xFFFFFFD0]  }
0xb9: {  	v6 =	vld [tilespmem:s16+$0xFFFFFFE0]  }
0xba: {  	v7 =	vld [tilespmem:s17+$0xFFFFFFE0]  }
0xbb: {  	v9 =	vld [tilespmem:s16+$0xFFFFFFF0];
	v8 =	vmul.f32 v3, v2  }
0xbc: {  	v10 =	vld [tilespmem:s17+$0xFFFFFFF0]  }
0xbd: {  	v12 =	vld [tilespmem:s16+$0x0];
	v11 =	vmul.f32 v5, v4;
	v8 =	vadd.f32 $0.0e+00, v8  }
0xbe: {  	v13 =	vld [tilespmem:s17+$0x0];
	v2 =	vmul.f32 v2, v2;
	v4 =	vmul.f32 v4, v4  }
0xbf: {  	v14 =	vld [tilespmem:s16+$0x10];
	v8 =	vadd.f32 v11, v8;
	v11 =	vmul.f32 v7, v6  }
0xc0: {  	v3 =	vmul.f32 v3, v3;
	v2 =	vadd.f32 v4, v2;
	v4 =	vmul.f32 v6, v6;
	v6 =	vld [tilespmem:s17+$0x10]  }
0xc1: {  	v15 =	vld [tilespmem:s16+$0x20];
	v5 =	vmul.f32 v5, v5;
	v8 =	vadd.f32 v11, v8;
	v11 =	vmul.f32 v10, v9  }
0xc2: {  	v2 =	vadd.f32 v4, v2;
	v4 =	vmul.f32 v9, v9;
	v9 =	vld [tilespmem:s17+$0x20]  }
0xc3: {  	v3 =	vadd.f32 v5, v3;
	v5 =	vadd.f32 v11, v8;
	v8 =	vmul.f32 v13, v12;
	v11 =	vld [tilespmem:s16+$0x30]  }
0xc4: {  	v2 =	vadd.f32 v4, v2;
	v4 =	vmul.f32 v12, v12;
	v12 =	vld [tilespmem:s17+$0x30]  }
0xc5: {  	v5 =	vadd.f32 v8, v5;
	v8 =	vmul.f32 v6, v14  }
0xc6: {  	v7 =	vmul.f32 v7, v7  }
0xc7: {  	v5 =	vadd.f32 v8, v5;
	v8 =	vmul.f32 v9, v15  }
0xc8: {  	v10 =	vmul.f32 v10, v10;
	v3 =	vadd.f32 v7, v3  }
0xc9: {  	s20 =	sadd.s32 $0x80, s16;
	v2 =	vadd.f32 v4, v2;
	v5 =	vadd.f32 v8, v5;
	v8 =	vmul.f32 v12, v11  }
0xca: {  	s19 =	sadd.s32 $0x80, s17;
	v7 =	vld [tilespmem:s20+$0xFFFFFFC0];
	v4 =	vmul.f32 v14, v14;
	v13 =	vmul.f32 v13, v13;
	v3 =	vadd.f32 v10, v3  }
0xcb: {  	v10 =	vmul.f32 v15, v15;
	v14 =	vld [tilespmem:s19+$0xFFFFFFC0];
	v5 =	vadd.f32 v8, v5  }
0xcc: {  	v4 =	vadd.f32 v4, v2;
	v6 =	vmul.f32 v6, v6;
	v3 =	vadd.f32 v13, v3;
	v15 =	vld [tilespmem:s20+$0xFFFFFFD0]  }
0xcd: {  	v16 =	vld [tilespmem:s19+$0xFFFFFFD0];
	(xrf2) =	vadd.scan.msk.f32 $0xffff, v5  }
0xce: {  	v4 =	vadd.f32 v10, v4;
	v10 =	vld [tilespmem:s20+$0xFFFFFFE0];
	v9 =	vmul.f32 v9, v9;
	v3 =	vadd.f32 v6, v3  }
0xcf: {  	v6 =	vmul.f32 v7, v7;
	v11 =	vmul.f32 v11, v11;
	v8 =	vld [tilespmem:s19+$0xFFFFFFE0]  }
0xd0: {  	v13 =	vld [tilespmem:s20+$0xFFFFFFF0];
	v3 =	vadd.f32 v9, v3;
	v12 =	vmul.f32 v12, v12;
	v7 =	vmul.f32 v14, v7  }
0xd1: {  	v4 =	vadd.f32 v11, v4;
	v11 =	vmul.f32 v14, v14;
	v14 =	vld [tilespmem:s19+$0xFFFFFFF0];
	v5 =	vmul.f32 v15, v15  }
0xd2: {  	v17 =	vld [tilespmem:s20+$0x0];
	v7 =	vadd.f32 $0.0e+00, v7;
	v15 =	vmul.f32 v16, v15;
	v16 =	vmul.f32 v16, v16  }
0xd3: {  	v9 =	vld [tilespmem:s19+$0x0];
	v3 =	vadd.f32 v12, v3;
	v5 =	vadd.f32 v5, v6;
	v6 =	vmul.f32 v10, v10  }
0xd4: {  	(xrf2) =	vadd.scan.msk.f32 $0xffff, v4;
	v4 =	vadd.f32 v15, v7;
	v7 =	vadd.f32 v16, v11;
	v11 =	vld [tilespmem:s20+$0x10];
	v10 =	vmul.f32 v8, v10  }
0xd5: {  	v15 =	vld [tilespmem:s19+$0x10];
	v5 =	vadd.f32 v6, v5;
	v6 =	vmul.f32 v8, v8;
	v8 =	vmul.f32 v13, v13  }
0xd6: {  	v4 =	vadd.f32 v10, v4;
	v10 =	vmul.f32 v14, v13;
	v13 =	vmul.f32 v14, v14  }
0xd7: {  	v16 =	vld [tilespmem:s20+$0x20];
	v6 =	vadd.f32 v6, v7;
	v5 =	vadd.f32 v8, v5;
	v7 =	vmul.f32 v17, v17;
	v14, _, _ =	vpop (xrf2);
	(xrf2) =	vadd.scan.msk.f32 $0xffff, v3  }
0xd8: {  	v8 =	vld [tilespmem:s19+$0x20];
	v4 =	vadd.f32 v10, v4;
	v10 =	vmul.f32 v9, v17  }
0xd9: {  	v9 =	vmul.f32 v9, v9;
	v6 =	vadd.f32 v13, v6;
	v17 =	vadd.f32 v7, v5;
	v7 =	vld [tilespmem:s20+$0x30]  }
0xda: {  	v2 =	vimm.f32 $0.0e+00;
	v13 =	vmul.f32 v15, v11;
	v11 =	vmul.f32 v11, v11;
	v5 =	vld [tilespmem:s19+$0x30]  }
0xdb: {  	v4 =	vadd.f32 v10, v4;
	v12 =	vadd.f32 v9, v6;
	v6 =	vmov s15  }
0xdc: {  	s21 =	sadd.s32 $0x80, s20;
	v10 =	vmul.f32 v15, v15;
	v15 =	vadd.f32 v11, v17;
	v18 =	vbroadcast v14, $0xF  }
0xdd: {  	s22 =	sadd.s32 $0x80, s19;
	v9 =	vld [tilespmem:s21+$0xFFFFFFC0];
	v13 =	vadd.f32 v13, v4;
	v14 =	vmul.f32 v8, v16;
	vm0 =	veq.s32 v6, v0  }
0xde: {  	s23 =	simm.s32 $0x3;
	s20 =	simm.s32 $0x1;
	s19 =	simm.s32 $0x2;
	v11 =	vld [tilespmem:s22+$0xFFFFFFC0];
	v16 =	vmul.f32 v16, v16;
	v4 =	vimm.f32 $0.0e+00;
	v3 =	vsel vm0, v18, v2;
	v6, _, _ =	vpop (xrf2)  }
.LBB2_8:
0xdf: {  	p1 =	sne.s32 s23, $0xF;
	v17 =	vld [tilespmem:s21+$0xFFFFFFD0];
	v10 =	vadd.f32 v10, v12;
	v12 =	vadd.f32 v14, v13;
	v18 =	vmul.f32 v5, v7  }
0xe0: {  	v8 =	vmul.f32 v8, v8;
	v7 =	vmul.f32 v7, v7;
	v14 =	vld [tilespmem:s22+$0xFFFFFFD0];
	v15 =	vadd.f32 v16, v15  }
0xe1: {  	v5 =	vmul.f32 v5, v5;
	v6 =	vbroadcast v6, $0xF;
	v16 =	vld [tilespmem:s21+$0xFFFFFFE0];
	v12 =	vadd.f32 v18, v12;
	v13, _, _ =	vpop (xrf2)  }
0xe2: {  	v8 =	vadd.f32 v8, v10;
	v18 =	vmul.f32 v9, v9;
	v19 =	vld [tilespmem:s22+$0xFFFFFFE0];
	v7 =	vadd.f32 v7, v15  }
0xe3: {  	v2 =	vsel vm0, v6, v2;
	v9 =	vmul.f32 v11, v9;
	v10 =	vmul.f32 v11, v11;
	v11 =	vld [tilespmem:s21+$0xFFFFFFF0];
	(xrf2) =	vadd.scan.msk.f32 $0xffff, v12  }
0xe4: {  	v5 =	vadd.f32 v5, v8;
	v8 =	vbroadcast v13, $0xF;
	v6 =	vmul.f32 v17, v17;
	v12 =	vld [tilespmem:s22+$0xFFFFFFF0]  }
0xe5: {  	v9 =	vadd.f32 $0.0e+00, v9;
	v13 =	vmul.f32 v14, v17;
	v14 =	vmul.f32 v14, v14;
	v15 =	vld [tilespmem:s21+$0x0]  }
0xe6: {  	v4 =	vsel vm0, v8, v4;
	v6 =	vadd.f32 v6, v18;
	v17 =	vmul.f32 v16, v16;
	v18 =	vld [tilespmem:s22+$0x0];
	(xrf2) =	vadd.scan.msk.f32 $0xffff, v7  }
0xe7: {  	v7 =	vadd.f32 v13, v9;
	v8 =	vadd.f32 v14, v10;
	v9 =	vmul.f32 v19, v16;
	v10 =	vld [tilespmem:s21+$0x10]  }
0xe8: {  	v13 =	vmul.f32 v19, v19;
	v6 =	vadd.f32 v17, v6;
	v14 =	vmul.f32 v11, v11;
	v16 =	vld [tilespmem:s22+$0x10]  }
0xe9: {  	v7 =	vadd.f32 v9, v7;
	v9 =	vmul.f32 v12, v11;
	v11 =	vmul.f32 v12, v12;
	v17 =	vld [tilespmem:s21+$0x20];
	(xrf2) =	vadd.scan.msk.f32 $0xffff, v5  }
0xea: {  	v5 =	vadd.f32 v13, v8;
	v6 =	vadd.f32 v14, v6;
	v12 =	vmul.f32 v15, v15;
	v8 =	vld [tilespmem:s22+$0x20]  }
0xeb: {  	v19 =	vadd.f32 v9, v7;
	v13 =	vmul.f32 v18, v15;
	v14 =	vmul.f32 v18, v18;
	v7 =	vld [tilespmem:s21+$0x30]  }
.Ltmp4:
0xec: {  	v11 =	vadd.f32 v11, v5;
	v6 =	vadd.f32 v12, v6;
	v15 =	vmul.f32 v10, v10;
	v5 =	vld [tilespmem:s22+$0x30];
	(pc) =	sbr.rel @p1 .LBB2_8-.Ltmp4, $4  }
0xed: {  	v13 =	vadd.f32 v13, v19;
	v18 =	vmul.f32 v16, v10;
	v10 =	vmul.f32 v16, v16;
	v9, _, _ =	vpop (xrf2)  }
0xee: {  	s21 =	sadd.s32 $0x80, s21;
	v12 =	vadd.f32 v14, v11;
	v11 =	vmov s20;
	s20 =	smov.u32 s19;
	s19 =	smov.u32 s23;
	v19 =	vbroadcast v9, $0xF  }
0xef: {  	s22 =	sadd.s32 $0x80, s22;
	vm0 =	veq.s32 v11, v0;
	v9 =	vld [tilespmem:s21+$0xFFFFFFC0];
	v13 =	vadd.f32 v18, v13;
	v14 =	vmul.f32 v8, v17  }
0xf0: {  	s23 =	sadd.s32 $0x1, s23;
	v15 =	vadd.f32 v15, v6;
	v16 =	vmul.f32 v17, v17;
	v11 =	vld [tilespmem:s22+$0xFFFFFFC0];
	v3 =	vsel vm0, v19, v3;
	v6, _, _ =	vpop (xrf2)  }
0xf1: {  	v17 =	vld [tilespmem:s21+$0xFFFFFFD0]  }
0xf2: {  	v18 =	vld [tilespmem:s22+$0xFFFFFFD0]  }
0xf3: {  	v55 =	vld [tilespmem:s21+$0xFFFFFFE0]  }
0xf4: {  	v56 =	vmul.f32 v5, v7;
	v19 =	vld [tilespmem:s22+$0xFFFFFFE0]  }
0xf5: {  	v13 =	vadd.f32 v14, v13;
	v8 =	vmul.f32 v8, v8;
	v20 =	vld [tilespmem:s21+$0xFFFFFFF0];
	v28 =	vmul.f32 v7, v7  }
0xf6: {  	v10 =	vadd.f32 v10, v12;
	v21 =	vld [tilespmem:s22+$0xFFFFFFF0];
	v40 =	vmul.f32 v5, v5;
	v58 =	vmul.f32 v11, v9  }
0xf7: {  	v22 =	vld [tilespmem:s21+$0x0];
	v15 =	vadd.f32 v16, v15;
	v13 =	vadd.f32 v56, v13;
	v57 =	vmul.f32 v9, v9  }
0xf8: {  	v63 =	vld [tilespmem:s22+$0x0];
	v60 =	vmul.f32 v17, v17;
	v17 =	vmul.f32 v18, v17;
	v9 =	vadd.f32 $0.0e+00, v58  }
0xf9: {  	v24 =	vld [tilespmem:s21+$0x10];
	v8 =	vadd.f32 v8, v10;
	v7 =	vadd.f32 v28, v15;
	v59 =	vmul.f32 v11, v11  }
0xfa: {  	v27 =	vld [tilespmem:s22+$0x10];
	v18 =	vmul.f32 v18, v18;
	v12 =	vmul.f32 v19, v55;
	v9 =	vadd.f32 v17, v9  }
0xfb: {  	v30 =	vld [tilespmem:s21+$0x20];
	v62 =	vmul.f32 v55, v55;
	v25 =	vmul.f32 v19, v19;
	v61 =	vadd.f32 v60, v57  }
0xfc: {  	v31 =	vld [tilespmem:s22+$0x20];
	v29 =	vmul.f32 v21, v20;
	v11 =	vadd.f32 v18, v59;
	v9 =	vadd.f32 v12, v9  }
0xfd: {  	v34 =	vld [tilespmem:s21+$0x30];
	v26 =	vmul.f32 v20, v20;
	v21 =	vmul.f32 v21, v21;
	v10 =	vadd.f32 v62, v61  }
0xfe: {  	v36 =	vld [tilespmem:s22+$0x30];
	v33 =	vmul.f32 v63, v22;
	v11 =	vadd.f32 v25, v11;
	v9 =	vadd.f32 v29, v9  }
0xff: {  	v32 =	vmul.f32 v22, v22;
	v35 =	vmul.f32 v63, v63;
	v10 =	vadd.f32 v26, v10  }
0x100: {  	v37 =	vmul.f32 v27, v24;
	v11 =	vadd.f32 v21, v11;
	v9 =	vadd.f32 v33, v9  }
0x101: {  	v38 =	vmul.f32 v24, v24;
	v39 =	vmul.f32 v27, v27;
	v10 =	vadd.f32 v32, v10  }
0x102: {  	v41 =	vmul.f32 v31, v30;
	v11 =	vadd.f32 v35, v11;
	v9 =	vadd.f32 v37, v9  }
0x103: {  	v42 =	vmul.f32 v30, v30;
	v43 =	vmul.f32 v36, v34;
	v10 =	vadd.f32 v38, v10  }
0x104: {  	v14 =	vmul.f32 v31, v31;
	v11 =	vadd.f32 v39, v11;
	v9 =	vadd.f32 v41, v9  }
0x105: {  	(xrf2) =	vadd.scan.msk.f32 $0xffff, v13;
	v5 =	vadd.f32 v40, v8;
	v45 =	vmul.f32 v34, v34;
	v44 =	vadd.f32 v42, v10  }
0x106: {  	(xrf2) =	vadd.scan.msk.f32 $0xffff, v7;
	v47 =	vmul.f32 v36, v36;
	v11 =	vadd.f32 v14, v11;
	v46 =	vadd.f32 v43, v9  }
0x107: {  	(xrf2) =	vadd.scan.msk.f32 $0xffff, v5;
	v48 =	vadd.f32 v45, v44  }
0x108: {  	v49 =	vadd.f32 v47, v11;
	(xrf2) =	vadd.scan.msk.f32 $0xffff, v46  }
0x109: {  	(xrf2) =	vadd.scan.msk.f32 $0xffff, v48  }
0x10a: {  	(xrf2) =	vadd.scan.msk.f32 $0xffff, v49;
	_ =	sdelay $0x3  }
0x10b: {  	v50, _, _ =	vpop (xrf2)  }
0x10c: {  	v51, _, _ =	vpop (xrf2)  }
0x10d: {  	v52, _, _ =	vpop (xrf2)  }
0x10e: {  	v6 =	vbroadcast v6, $0xF;
	v53, _, _ =	vpop (xrf2)  }
0x10f: {  	v55 =	vmov s20;
	v54, _, _ =	vpop (xrf2)  }
0x110: {  	v2 =	vsel vm0, v6, v2;
	v5 =	vbroadcast v50, $0xF;
	vm15 =	veq.s32 v55, v0;
	v56, _, _ =	vpop (xrf2)  }
0x111: {  	v60 =	vmov s19;
	v57 =	vbroadcast v52, $0xF;
	v58 =	vbroadcast v53, $0xF;
	v59, _, _ =	vpop (xrf2)  }
0x112: {  	v4 =	vsel vm0, v5, v4;
	v6 =	vbroadcast v56, $0xF;
	v9 =	vbroadcast v59, $0xF  }
0x113: {  	vm1 =	veq.s32 v60, v0;
	v2 =	vsel vm15, v57, v2;
	v4 =	vsel vm15, v58, v4  }
0x114: {  	v2 =	vsel vm1, v6, v2;
	v4 =	vsel vm1, v9, v4  }
0x115: {  	v2 =	vmul.f32 v4, v2;
	_ =	sdelay $0x1  }
0x116: {  	v4 =	vshrl.u32 v2, $0x1;
	v2 =	vmul.f32 $5.000000000e-01, v2  }
0x117: {  	v4 =	vsub.s32 $0x5F3759DF, v4  }
0x118: {  	v61 =	vmul.f32 v4, v2;
	_ =	sdelay $0x1  }
0x119: {  	v5 =	vmul.f32 v4, v61;
	_ =	sdelay $0x1  }
0x11a: {  	v5 =	vsub.f32 $1.500000000e+00, v5;
	_ =	sdelay $0x1  }
0x11b: {  	v4 =	vmul.f32 v4, v5;
	_ =	sdelay $0x1  }
0x11c: {  	v5 =	vmul.f32 v4, v2;
	_ =	sdelay $0x1  }
0x11d: {  	v5 =	vmul.f32 v5, v4;
	_ =	sdelay $0x1  }
0x11e: {  	v5 =	vsub.f32 $1.500000000e+00, v5;
	_ =	sdelay $0x1  }
0x11f: {  	v4 =	vmul.f32 v5, v4;
	_ =	sdelay $0x1  }
0x120: {  	v2 =	vmul.f32 v4, v2;
	_ =	sdelay $0x1  }
0x121: {  	v2 =	vmul.f32 v2, v4;
	_ =	sdelay $0x1  }
0x122: {  	s18 =	sadd.s32 $0x1, s18;
	v62 =	vbroadcast v51, $0xF;
	v2 =	vsub.f32 $1.500000000e+00, v2  }
0x123: {  	p1 =	sne.s32 s18, $0x5;
	v63 =	vbroadcast v54, $0xF  }
.Ltmp5:
0x124: {  	v3 =	vsel vm15, v62, v3;
	v2 =	vmul.f32 v2, v4;
	(pc) =	sbr.rel @p1 .LBB2_7-.Ltmp5, $3  }
0x125: {  	v3 =	vsel vm1, v63, v3  }
0x126: {  	v2 =	vmul.f32 v2, v3;
	_ =	sdelay $0x1  }
0x127: {  	s16 =	sadd.s32 $0x800, s16;
	s17 =	sadd.s32 $0x800, s17;
	v1 =	vadd.f32 v2, v1  }
0x128: {  	s15 =	sadd.s32 @!p0 $0x1E0, s14;
	s16 =	simm.s32 @!p0 $0x50;
	s17 =	simm.s32 @!p0 $0x5A00  }
0x129: {  	[tilespmem:s17], [sflag:$0x2] =	stream.indirect.gather @!p0 [hbm4b:s2+s16], $0x80, s15, s16, $0xb8;
	[tilespmem:$0x1C280] =	vst v63  }
0x12a: {  	s15 =	sadd.s32 @!p0 $0x1AE0, s14;
	s17 =	simm.s32 @!p0 $0x12200  }
0x12b: {  	[tilespmem:s17], [sflag:$0x2] =	stream.indirect.gather @!p0 [hbm4b:s2+s16], $0x80, s15, s16, $0xb8;
	[tilespmem:$0x1C280] =	vst v63  }
0x12c: {  	_ =	swait.ge [sflag:s31], $0x2800  }
0x12d: {  	[sflag:s31] =	ssyncset.done $0x0  }
0x12e: {  	[sflag:s31] =	ssyncadd.s32 $0xFFFFD800  }
0x12f: {  	_ =	swait.ge [sflag:s31], $0x2800  }
0x130: {  	s18 =	simm.s32 $0x0;
	s15 =	simm.s32 $0x0;
	[sflag:s31] =	ssyncset.done $0x0  }
0x131: {  	s16 =	simm.s32 $0x8240;
	s17 =	simm.s32 $0x14A40;
	[sflag:s31] =	ssyncadd.s32 $0xFFFFD800  }
.LBB2_11:
0x132: {  	v2 =	vld [tilespmem:s16+$0xFFFFFFC0]  }
0x133: {  	v3 =	vld [tilespmem:s17+$0xFFFFFFC0]  }
0x134: {  	v4 =	vld [tilespmem:s16+$0xFFFFFFD0]  }
0x135: {  	v5 =	vld [tilespmem:s17+$0xFFFFFFD0]  }
0x136: {  	v6 =	vld [tilespmem:s16+$0xFFFFFFE0]  }
0x137: {  	v7 =	vld [tilespmem:s17+$0xFFFFFFE0]  }
0x138: {  	v9 =	vld [tilespmem:s16+$0xFFFFFFF0];
	v8 =	vmul.f32 v3, v2  }
0x139: {  	v10 =	vld [tilespmem:s17+$0xFFFFFFF0]  }
0x13a: {  	v12 =	vld [tilespmem:s16+$0x0];
	v11 =	vmul.f32 v5, v4;
	v8 =	vadd.f32 $0.0e+00, v8  }
0x13b: {  	v13 =	vld [tilespmem:s17+$0x0];
	v2 =	vmul.f32 v2, v2;
	v4 =	vmul.f32 v4, v4  }
0x13c: {  	v14 =	vld [tilespmem:s16+$0x10];
	v8 =	vadd.f32 v11, v8;
	v11 =	vmul.f32 v7, v6  }
0x13d: {  	v3 =	vmul.f32 v3, v3;
	v2 =	vadd.f32 v4, v2;
	v4 =	vmul.f32 v6, v6;
	v6 =	vld [tilespmem:s17+$0x10]  }
0x13e: {  	v15 =	vld [tilespmem:s16+$0x20];
	v5 =	vmul.f32 v5, v5;
	v8 =	vadd.f32 v11, v8;
	v11 =	vmul.f32 v10, v9  }
0x13f: {  	v2 =	vadd.f32 v4, v2;
	v4 =	vmul.f32 v9, v9;
	v9 =	vld [tilespmem:s17+$0x20]  }
0x140: {  	v3 =	vadd.f32 v5, v3;
	v5 =	vadd.f32 v11, v8;
	v8 =	vmul.f32 v13, v12;
	v11 =	vld [tilespmem:s16+$0x30]  }
0x141: {  	v2 =	vadd.f32 v4, v2;
	v4 =	vmul.f32 v12, v12;
	v12 =	vld [tilespmem:s17+$0x30]  }
0x142: {  	v5 =	vadd.f32 v8, v5;
	v8 =	vmul.f32 v6, v14  }
0x143: {  	v7 =	vmul.f32 v7, v7  }
0x144: {  	v5 =	vadd.f32 v8, v5;
	v8 =	vmul.f32 v9, v15  }
0x145: {  	v10 =	vmul.f32 v10, v10;
	v3 =	vadd.f32 v7, v3  }
0x146: {  	s20 =	sadd.s32 $0x80, s16;
	v2 =	vadd.f32 v4, v2;
	v5 =	vadd.f32 v8, v5;
	v8 =	vmul.f32 v12, v11  }
0x147: {  	s19 =	sadd.s32 $0x80, s17;
	v7 =	vld [tilespmem:s20+$0xFFFFFFC0];
	v4 =	vmul.f32 v14, v14;
	v13 =	vmul.f32 v13, v13;
	v3 =	vadd.f32 v10, v3  }
0x148: {  	v10 =	vmul.f32 v15, v15;
	v14 =	vld [tilespmem:s19+$0xFFFFFFC0];
	v5 =	vadd.f32 v8, v5  }
0x149: {  	v4 =	vadd.f32 v4, v2;
	v6 =	vmul.f32 v6, v6;
	v3 =	vadd.f32 v13, v3;
	v15 =	vld [tilespmem:s20+$0xFFFFFFD0]  }
0x14a: {  	v16 =	vld [tilespmem:s19+$0xFFFFFFD0];
	(xrf2) =	vadd.scan.msk.f32 $0xffff, v5  }
0x14b: {  	v4 =	vadd.f32 v10, v4;
	v10 =	vld [tilespmem:s20+$0xFFFFFFE0];
	v9 =	vmul.f32 v9, v9;
	v3 =	vadd.f32 v6, v3  }
0x14c: {  	v6 =	vmul.f32 v7, v7;
	v11 =	vmul.f32 v11, v11;
	v8 =	vld [tilespmem:s19+$0xFFFFFFE0]  }
0x14d: {  	v13 =	vld [tilespmem:s20+$0xFFFFFFF0];
	v3 =	vadd.f32 v9, v3;
	v12 =	vmul.f32 v12, v12;
	v7 =	vmul.f32 v14, v7  }
0x14e: {  	v4 =	vadd.f32 v11, v4;
	v11 =	vmul.f32 v14, v14;
	v14 =	vld [tilespmem:s19+$0xFFFFFFF0];
	v5 =	vmul.f32 v15, v15  }
0x14f: {  	v17 =	vld [tilespmem:s20+$0x0];
	v7 =	vadd.f32 $0.0e+00, v7;
	v15 =	vmul.f32 v16, v15;
	v16 =	vmul.f32 v16, v16  }
0x150: {  	v9 =	vld [tilespmem:s19+$0x0];
	v3 =	vadd.f32 v12, v3;
	v5 =	vadd.f32 v5, v6;
	v6 =	vmul.f32 v10, v10  }
0x151: {  	(xrf2) =	vadd.scan.msk.f32 $0xffff, v4;
	v4 =	vadd.f32 v15, v7;
	v7 =	vadd.f32 v16, v11;
	v11 =	vld [tilespmem:s20+$0x10];
	v10 =	vmul.f32 v8, v10  }
0x152: {  	v15 =	vld [tilespmem:s19+$0x10];
	v5 =	vadd.f32 v6, v5;
	v6 =	vmul.f32 v8, v8;
	v8 =	vmul.f32 v13, v13  }
0x153: {  	v4 =	vadd.f32 v10, v4;
	v10 =	vmul.f32 v14, v13;
	v13 =	vmul.f32 v14, v14  }
0x154: {  	v16 =	vld [tilespmem:s20+$0x20];
	v6 =	vadd.f32 v6, v7;
	v5 =	vadd.f32 v8, v5;
	v7 =	vmul.f32 v17, v17;
	v14, _, _ =	vpop (xrf2);
	(xrf2) =	vadd.scan.msk.f32 $0xffff, v3  }
0x155: {  	v8 =	vld [tilespmem:s19+$0x20];
	v4 =	vadd.f32 v10, v4;
	v10 =	vmul.f32 v9, v17  }
0x156: {  	v9 =	vmul.f32 v9, v9;
	v6 =	vadd.f32 v13, v6;
	v17 =	vadd.f32 v7, v5;
	v7 =	vld [tilespmem:s20+$0x30]  }
0x157: {  	v2 =	vimm.f32 $0.0e+00;
	v13 =	vmul.f32 v15, v11;
	v11 =	vmul.f32 v11, v11;
	v5 =	vld [tilespmem:s19+$0x30]  }
0x158: {  	v4 =	vadd.f32 v10, v4;
	v12 =	vadd.f32 v9, v6;
	v6 =	vmov s15  }
0x159: {  	s21 =	sadd.s32 $0x80, s20;
	v10 =	vmul.f32 v15, v15;
	v15 =	vadd.f32 v11, v17;
	v18 =	vbroadcast v14, $0xF  }
0x15a: {  	s22 =	sadd.s32 $0x80, s19;
	v9 =	vld [tilespmem:s21+$0xFFFFFFC0];
	v13 =	vadd.f32 v13, v4;
	v14 =	vmul.f32 v8, v16;
	vm0 =	veq.s32 v6, v0  }
0x15b: {  	s23 =	simm.s32 $0x3;
	s20 =	simm.s32 $0x1;
	s19 =	simm.s32 $0x2;
	v11 =	vld [tilespmem:s22+$0xFFFFFFC0];
	v16 =	vmul.f32 v16, v16;
	v4 =	vimm.f32 $0.0e+00;
	v3 =	vsel vm0, v18, v2;
	v6, _, _ =	vpop (xrf2)  }
.LBB2_12:
0x15c: {  	p1 =	sne.s32 s23, $0xF;
	v17 =	vld [tilespmem:s21+$0xFFFFFFD0];
	v10 =	vadd.f32 v10, v12;
	v12 =	vadd.f32 v14, v13;
	v18 =	vmul.f32 v5, v7  }
0x15d: {  	v8 =	vmul.f32 v8, v8;
	v7 =	vmul.f32 v7, v7;
	v14 =	vld [tilespmem:s22+$0xFFFFFFD0];
	v15 =	vadd.f32 v16, v15  }
0x15e: {  	v5 =	vmul.f32 v5, v5;
	v6 =	vbroadcast v6, $0xF;
	v16 =	vld [tilespmem:s21+$0xFFFFFFE0];
	v12 =	vadd.f32 v18, v12;
	v13, _, _ =	vpop (xrf2)  }
0x15f: {  	v8 =	vadd.f32 v8, v10;
	v18 =	vmul.f32 v9, v9;
	v19 =	vld [tilespmem:s22+$0xFFFFFFE0];
	v7 =	vadd.f32 v7, v15  }
0x160: {  	v2 =	vsel vm0, v6, v2;
	v9 =	vmul.f32 v11, v9;
	v10 =	vmul.f32 v11, v11;
	v11 =	vld [tilespmem:s21+$0xFFFFFFF0];
	(xrf2) =	vadd.scan.msk.f32 $0xffff, v12  }
0x161: {  	v5 =	vadd.f32 v5, v8;
	v8 =	vbroadcast v13, $0xF;
	v6 =	vmul.f32 v17, v17;
	v12 =	vld [tilespmem:s22+$0xFFFFFFF0]  }
0x162: {  	v9 =	vadd.f32 $0.0e+00, v9;
	v13 =	vmul.f32 v14, v17;
	v14 =	vmul.f32 v14, v14;
	v15 =	vld [tilespmem:s21+$0x0]  }
0x163: {  	v4 =	vsel vm0, v8, v4;
	v6 =	vadd.f32 v6, v18;
	v17 =	vmul.f32 v16, v16;
	v18 =	vld [tilespmem:s22+$0x0];
	(xrf2) =	vadd.scan.msk.f32 $0xffff, v7  }
0x164: {  	v7 =	vadd.f32 v13, v9;
	v8 =	vadd.f32 v14, v10;
	v9 =	vmul.f32 v19, v16;
	v10 =	vld [tilespmem:s21+$0x10]  }
0x165: {  	v13 =	vmul.f32 v19, v19;
	v6 =	vadd.f32 v17, v6;
	v14 =	vmul.f32 v11, v11;
	v16 =	vld [tilespmem:s22+$0x10]  }
0x166: {  	v7 =	vadd.f32 v9, v7;
	v9 =	vmul.f32 v12, v11;
	v11 =	vmul.f32 v12, v12;
	v17 =	vld [tilespmem:s21+$0x20];
	(xrf2) =	vadd.scan.msk.f32 $0xffff, v5  }
0x167: {  	v5 =	vadd.f32 v13, v8;
	v6 =	vadd.f32 v14, v6;
	v12 =	vmul.f32 v15, v15;
	v8 =	vld [tilespmem:s22+$0x20]  }
0x168: {  	v19 =	vadd.f32 v9, v7;
	v13 =	vmul.f32 v18, v15;
	v14 =	vmul.f32 v18, v18;
	v7 =	vld [tilespmem:s21+$0x30]  }
.Ltmp6:
0x169: {  	v11 =	vadd.f32 v11, v5;
	v6 =	vadd.f32 v12, v6;
	v15 =	vmul.f32 v10, v10;
	v5 =	vld [tilespmem:s22+$0x30];
	(pc) =	sbr.rel @p1 .LBB2_12-.Ltmp6, $4  }
0x16a: {  	v13 =	vadd.f32 v13, v19;
	v18 =	vmul.f32 v16, v10;
	v10 =	vmul.f32 v16, v16;
	v9, _, _ =	vpop (xrf2)  }
0x16b: {  	s21 =	sadd.s32 $0x80, s21;
	v12 =	vadd.f32 v14, v11;
	v11 =	vmov s20;
	s20 =	smov.u32 s19;
	s19 =	smov.u32 s23;
	v19 =	vbroadcast v9, $0xF  }
0x16c: {  	s22 =	sadd.s32 $0x80, s22;
	vm0 =	veq.s32 v11, v0;
	v9 =	vld [tilespmem:s21+$0xFFFFFFC0];
	v13 =	vadd.f32 v18, v13;
	v14 =	vmul.f32 v8, v17  }
0x16d: {  	s23 =	sadd.s32 $0x1, s23;
	v15 =	vadd.f32 v15, v6;
	v16 =	vmul.f32 v17, v17;
	v11 =	vld [tilespmem:s22+$0xFFFFFFC0];
	v3 =	vsel vm0, v19, v3;
	v6, _, _ =	vpop (xrf2)  }
0x16e: {  	v17 =	vld [tilespmem:s21+$0xFFFFFFD0]  }
0x16f: {  	v18 =	vld [tilespmem:s22+$0xFFFFFFD0]  }
0x170: {  	v55 =	vld [tilespmem:s21+$0xFFFFFFE0]  }
0x171: {  	v56 =	vmul.f32 v5, v7;
	v19 =	vld [tilespmem:s22+$0xFFFFFFE0]  }
0x172: {  	v13 =	vadd.f32 v14, v13;
	v8 =	vmul.f32 v8, v8;
	v20 =	vld [tilespmem:s21+$0xFFFFFFF0];
	v28 =	vmul.f32 v7, v7  }
0x173: {  	v10 =	vadd.f32 v10, v12;
	v21 =	vld [tilespmem:s22+$0xFFFFFFF0];
	v40 =	vmul.f32 v5, v5;
	v58 =	vmul.f32 v11, v9  }
0x174: {  	v22 =	vld [tilespmem:s21+$0x0];
	v15 =	vadd.f32 v16, v15;
	v13 =	vadd.f32 v56, v13;
	v57 =	vmul.f32 v9, v9  }
0x175: {  	v63 =	vld [tilespmem:s22+$0x0];
	v60 =	vmul.f32 v17, v17;
	v17 =	vmul.f32 v18, v17;
	v9 =	vadd.f32 $0.0e+00, v58  }
0x176: {  	v24 =	vld [tilespmem:s21+$0x10];
	v8 =	vadd.f32 v8, v10;
	v7 =	vadd.f32 v28, v15;
	v59 =	vmul.f32 v11, v11  }
0x177: {  	v27 =	vld [tilespmem:s22+$0x10];
	v18 =	vmul.f32 v18, v18;
	v12 =	vmul.f32 v19, v55;
	v9 =	vadd.f32 v17, v9  }
0x178: {  	v30 =	vld [tilespmem:s21+$0x20];
	v62 =	vmul.f32 v55, v55;
	v25 =	vmul.f32 v19, v19;
	v61 =	vadd.f32 v60, v57  }
0x179: {  	v31 =	vld [tilespmem:s22+$0x20];
	v29 =	vmul.f32 v21, v20;
	v11 =	vadd.f32 v18, v59;
	v9 =	vadd.f32 v12, v9  }
0x17a: {  	v34 =	vld [tilespmem:s21+$0x30];
	v26 =	vmul.f32 v20, v20;
	v21 =	vmul.f32 v21, v21;
	v10 =	vadd.f32 v62, v61  }
0x17b: {  	v36 =	vld [tilespmem:s22+$0x30];
	v33 =	vmul.f32 v63, v22;
	v11 =	vadd.f32 v25, v11;
	v9 =	vadd.f32 v29, v9  }
0x17c: {  	v32 =	vmul.f32 v22, v22;
	v35 =	vmul.f32 v63, v63;
	v10 =	vadd.f32 v26, v10  }
0x17d: {  	v37 =	vmul.f32 v27, v24;
	v11 =	vadd.f32 v21, v11;
	v9 =	vadd.f32 v33, v9  }
0x17e: {  	v38 =	vmul.f32 v24, v24;
	v39 =	vmul.f32 v27, v27;
	v10 =	vadd.f32 v32, v10  }
0x17f: {  	v41 =	vmul.f32 v31, v30;
	v11 =	vadd.f32 v35, v11;
	v9 =	vadd.f32 v37, v9  }
0x180: {  	v42 =	vmul.f32 v30, v30;
	v43 =	vmul.f32 v36, v34;
	v10 =	vadd.f32 v38, v10  }
0x181: {  	v14 =	vmul.f32 v31, v31;
	v11 =	vadd.f32 v39, v11;
	v9 =	vadd.f32 v41, v9  }
0x182: {  	(xrf2) =	vadd.scan.msk.f32 $0xffff, v13;
	v5 =	vadd.f32 v40, v8;
	v45 =	vmul.f32 v34, v34;
	v44 =	vadd.f32 v42, v10  }
0x183: {  	(xrf2) =	vadd.scan.msk.f32 $0xffff, v7;
	v47 =	vmul.f32 v36, v36;
	v11 =	vadd.f32 v14, v11;
	v46 =	vadd.f32 v43, v9  }
0x184: {  	(xrf2) =	vadd.scan.msk.f32 $0xffff, v5;
	v48 =	vadd.f32 v45, v44  }
0x185: {  	v49 =	vadd.f32 v47, v11;
	(xrf2) =	vadd.scan.msk.f32 $0xffff, v46  }
0x186: {  	(xrf2) =	vadd.scan.msk.f32 $0xffff, v48  }
0x187: {  	(xrf2) =	vadd.scan.msk.f32 $0xffff, v49;
	_ =	sdelay $0x3  }
0x188: {  	v50, _, _ =	vpop (xrf2)  }
0x189: {  	v51, _, _ =	vpop (xrf2)  }
0x18a: {  	v52, _, _ =	vpop (xrf2)  }
0x18b: {  	v6 =	vbroadcast v6, $0xF;
	v53, _, _ =	vpop (xrf2)  }
0x18c: {  	v55 =	vmov s20;
	v54, _, _ =	vpop (xrf2)  }
0x18d: {  	v2 =	vsel vm0, v6, v2;
	v5 =	vbroadcast v50, $0xF;
	vm15 =	veq.s32 v55, v0;
	v56, _, _ =	vpop (xrf2)  }
0x18e: {  	v60 =	vmov s19;
	v57 =	vbroadcast v52, $0xF;
	v58 =	vbroadcast v53, $0xF;
	v59, _, _ =	vpop (xrf2)  }
0x18f: {  	v4 =	vsel vm0, v5, v4;
	v6 =	vbroadcast v56, $0xF;
	v9 =	vbroadcast v59, $0xF  }
0x190: {  	vm1 =	veq.s32 v60, v0;
	v2 =	vsel vm15, v57, v2;
	v4 =	vsel vm15, v58, v4  }
0x191: {  	v2 =	vsel vm1, v6, v2;
	v4 =	vsel vm1, v9, v4  }
0x192: {  	v2 =	vmul.f32 v4, v2;
	_ =	sdelay $0x1  }
0x193: {  	v4 =	vshrl.u32 v2, $0x1;
	v2 =	vmul.f32 $5.000000000e-01, v2  }
0x194: {  	v4 =	vsub.s32 $0x5F3759DF, v4  }
0x195: {  	v61 =	vmul.f32 v4, v2;
	_ =	sdelay $0x1  }
0x196: {  	v5 =	vmul.f32 v4, v61;
	_ =	sdelay $0x1  }
0x197: {  	v5 =	vsub.f32 $1.500000000e+00, v5;
	_ =	sdelay $0x1  }
0x198: {  	v4 =	vmul.f32 v4, v5;
	_ =	sdelay $0x1  }
0x199: {  	v5 =	vmul.f32 v4, v2;
	_ =	sdelay $0x1  }
0x19a: {  	v5 =	vmul.f32 v5, v4;
	_ =	sdelay $0x1  }
0x19b: {  	v5 =	vsub.f32 $1.500000000e+00, v5;
	_ =	sdelay $0x1  }
0x19c: {  	v4 =	vmul.f32 v5, v4;
	_ =	sdelay $0x1  }
0x19d: {  	v2 =	vmul.f32 v4, v2;
	_ =	sdelay $0x1  }
0x19e: {  	v2 =	vmul.f32 v2, v4;
	_ =	sdelay $0x1  }
0x19f: {  	s18 =	sadd.s32 $0x1, s18;
	v62 =	vbroadcast v51, $0xF;
	v2 =	vsub.f32 $1.500000000e+00, v2  }
0x1a0: {  	p1 =	sne.s32 s18, $0x5;
	v63 =	vbroadcast v54, $0xF  }
.Ltmp7:
0x1a1: {  	v3 =	vsel vm15, v62, v3;
	v2 =	vmul.f32 v2, v4;
	(pc) =	sbr.rel @p1 .LBB2_11-.Ltmp7, $3  }
0x1a2: {  	v3 =	vsel vm1, v63, v3  }
0x1a3: {  	v2 =	vmul.f32 v2, v3;
	_ =	sdelay $0x1  }
0x1a4: {  	s16 =	sadd.s32 $0x800, s16;
	s17 =	sadd.s32 $0x800, s17;
	v1 =	vadd.f32 v2, v1  }
0x1a5: {  	s15 =	sadd.s32 @!p0 $0x230, s14;
	s16 =	simm.s32 @!p0 $0x50;
	s17 =	simm.s32 @!p0 $0x8200  }
0x1a6: {  	[tilespmem:s17], [sflag:$0x3] =	stream.indirect.gather @!p0 [hbm4b:s2+s16], $0x80, s15, s16, $0xb8;
	[tilespmem:$0x1C280] =	vst v63  }
0x1a7: {  	s15 =	sadd.s32 @!p0 $0x1B30, s14;
	s17 =	simm.s32 @!p0 $0x14A00  }
0x1a8: {  	[tilespmem:s17], [sflag:$0x3] =	stream.indirect.gather @!p0 [hbm4b:s2+s16], $0x80, s15, s16, $0xb8;
	[tilespmem:$0x1C280] =	vst v63  }
0x1a9: {  	_ =	swait.ge [sflag:s1], $0x2800  }
0x1aa: {  	[sflag:s1] =	ssyncset.done $0x0  }
0x1ab: {  	[sflag:s1] =	ssyncadd.s32 $0xFFFFD800  }
0x1ac: {  	_ =	swait.ge [sflag:s1], $0x2800  }
0x1ad: {  	s18 =	simm.s32 $0x0;
	s15 =	simm.s32 $0x0;
	[sflag:s1] =	ssyncset.done $0x0  }
0x1ae: {  	s16 =	simm.s32 $0xAA40;
	s17 =	simm.s32 $0x17240;
	[sflag:s1] =	ssyncadd.s32 $0xFFFFD800  }
.LBB2_15:
0x1af: {  	v2 =	vld [tilespmem:s16+$0xFFFFFFC0]  }
0x1b0: {  	v3 =	vld [tilespmem:s17+$0xFFFFFFC0]  }
0x1b1: {  	v4 =	vld [tilespmem:s16+$0xFFFFFFD0]  }
0x1b2: {  	v5 =	vld [tilespmem:s17+$0xFFFFFFD0]  }
0x1b3: {  	v6 =	vld [tilespmem:s16+$0xFFFFFFE0]  }
0x1b4: {  	v7 =	vld [tilespmem:s17+$0xFFFFFFE0]  }
0x1b5: {  	v9 =	vld [tilespmem:s16+$0xFFFFFFF0];
	v8 =	vmul.f32 v3, v2  }
0x1b6: {  	v10 =	vld [tilespmem:s17+$0xFFFFFFF0]  }
0x1b7: {  	v12 =	vld [tilespmem:s16+$0x0];
	v11 =	vmul.f32 v5, v4;
	v8 =	vadd.f32 $0.0e+00, v8  }
0x1b8: {  	v13 =	vld [tilespmem:s17+$0x0];
	v2 =	vmul.f32 v2, v2;
	v4 =	vmul.f32 v4, v4  }
0x1b9: {  	v14 =	vld [tilespmem:s16+$0x10];
	v8 =	vadd.f32 v11, v8;
	v11 =	vmul.f32 v7, v6  }
0x1ba: {  	v3 =	vmul.f32 v3, v3;
	v2 =	vadd.f32 v4, v2;
	v4 =	vmul.f32 v6, v6;
	v6 =	vld [tilespmem:s17+$0x10]  }
0x1bb: {  	v15 =	vld [tilespmem:s16+$0x20];
	v5 =	vmul.f32 v5, v5;
	v8 =	vadd.f32 v11, v8;
	v11 =	vmul.f32 v10, v9  }
0x1bc: {  	v2 =	vadd.f32 v4, v2;
	v4 =	vmul.f32 v9, v9;
	v9 =	vld [tilespmem:s17+$0x20]  }
0x1bd: {  	v3 =	vadd.f32 v5, v3;
	v5 =	vadd.f32 v11, v8;
	v8 =	vmul.f32 v13, v12;
	v11 =	vld [tilespmem:s16+$0x30]  }
0x1be: {  	v2 =	vadd.f32 v4, v2;
	v4 =	vmul.f32 v12, v12;
	v12 =	vld [tilespmem:s17+$0x30]  }
0x1bf: {  	v5 =	vadd.f32 v8, v5;
	v8 =	vmul.f32 v6, v14  }
0x1c0: {  	v7 =	vmul.f32 v7, v7  }
0x1c1: {  	v5 =	vadd.f32 v8, v5;
	v8 =	vmul.f32 v9, v15  }
0x1c2: {  	v10 =	vmul.f32 v10, v10;
	v3 =	vadd.f32 v7, v3  }
0x1c3: {  	s20 =	sadd.s32 $0x80, s16;
	v2 =	vadd.f32 v4, v2;
	v5 =	vadd.f32 v8, v5;
	v8 =	vmul.f32 v12, v11  }
0x1c4: {  	s19 =	sadd.s32 $0x80, s17;
	v7 =	vld [tilespmem:s20+$0xFFFFFFC0];
	v4 =	vmul.f32 v14, v14;
	v13 =	vmul.f32 v13, v13;
	v3 =	vadd.f32 v10, v3  }
0x1c5: {  	v10 =	vmul.f32 v15, v15;
	v14 =	vld [tilespmem:s19+$0xFFFFFFC0];
	v5 =	vadd.f32 v8, v5  }
0x1c6: {  	v4 =	vadd.f32 v4, v2;
	v6 =	vmul.f32 v6, v6;
	v3 =	vadd.f32 v13, v3;
	v15 =	vld [tilespmem:s20+$0xFFFFFFD0]  }
0x1c7: {  	v16 =	vld [tilespmem:s19+$0xFFFFFFD0];
	(xrf2) =	vadd.scan.msk.f32 $0xffff, v5  }
0x1c8: {  	v4 =	vadd.f32 v10, v4;
	v10 =	vld [tilespmem:s20+$0xFFFFFFE0];
	v9 =	vmul.f32 v9, v9;
	v3 =	vadd.f32 v6, v3  }
0x1c9: {  	v6 =	vmul.f32 v7, v7;
	v11 =	vmul.f32 v11, v11;
	v8 =	vld [tilespmem:s19+$0xFFFFFFE0]  }
0x1ca: {  	v13 =	vld [tilespmem:s20+$0xFFFFFFF0];
	v3 =	vadd.f32 v9, v3;
	v12 =	vmul.f32 v12, v12;
	v7 =	vmul.f32 v14, v7  }
0x1cb: {  	v4 =	vadd.f32 v11, v4;
	v11 =	vmul.f32 v14, v14;
	v14 =	vld [tilespmem:s19+$0xFFFFFFF0];
	v5 =	vmul.f32 v15, v15  }
0x1cc: {  	v17 =	vld [tilespmem:s20+$0x0];
	v7 =	vadd.f32 $0.0e+00, v7;
	v15 =	vmul.f32 v16, v15;
	v16 =	vmul.f32 v16, v16  }
0x1cd: {  	v9 =	vld [tilespmem:s19+$0x0];
	v3 =	vadd.f32 v12, v3;
	v5 =	vadd.f32 v5, v6;
	v6 =	vmul.f32 v10, v10  }
0x1ce: {  	(xrf2) =	vadd.scan.msk.f32 $0xffff, v4;
	v4 =	vadd.f32 v15, v7;
	v7 =	vadd.f32 v16, v11;
	v11 =	vld [tilespmem:s20+$0x10];
	v10 =	vmul.f32 v8, v10  }
0x1cf: {  	v15 =	vld [tilespmem:s19+$0x10];
	v5 =	vadd.f32 v6, v5;
	v6 =	vmul.f32 v8, v8;
	v8 =	vmul.f32 v13, v13  }
0x1d0: {  	v4 =	vadd.f32 v10, v4;
	v10 =	vmul.f32 v14, v13;
	v13 =	vmul.f32 v14, v14  }
0x1d1: {  	v16 =	vld [tilespmem:s20+$0x20];
	v6 =	vadd.f32 v6, v7;
	v5 =	vadd.f32 v8, v5;
	v7 =	vmul.f32 v17, v17;
	v14, _, _ =	vpop (xrf2);
	(xrf2) =	vadd.scan.msk.f32 $0xffff, v3  }
0x1d2: {  	v8 =	vld [tilespmem:s19+$0x20];
	v4 =	vadd.f32 v10, v4;
	v10 =	vmul.f32 v9, v17  }
0x1d3: {  	v9 =	vmul.f32 v9, v9;
	v6 =	vadd.f32 v13, v6;
	v17 =	vadd.f32 v7, v5;
	v7 =	vld [tilespmem:s20+$0x30]  }
0x1d4: {  	v2 =	vimm.f32 $0.0e+00;
	v13 =	vmul.f32 v15, v11;
	v11 =	vmul.f32 v11, v11;
	v5 =	vld [tilespmem:s19+$0x30]  }
0x1d5: {  	v4 =	vadd.f32 v10, v4;
	v12 =	vadd.f32 v9, v6;
	v6 =	vmov s15  }
0x1d6: {  	s21 =	sadd.s32 $0x80, s20;
	v10 =	vmul.f32 v15, v15;
	v15 =	vadd.f32 v11, v17;
	v18 =	vbroadcast v14, $0xF  }
0x1d7: {  	s22 =	sadd.s32 $0x80, s19;
	v9 =	vld [tilespmem:s21+$0xFFFFFFC0];
	v13 =	vadd.f32 v13, v4;
	v14 =	vmul.f32 v8, v16;
	vm0 =	veq.s32 v6, v0  }
0x1d8: {  	s23 =	simm.s32 $0x3;
	s20 =	simm.s32 $0x1;
	s19 =	simm.s32 $0x2;
	v11 =	vld [tilespmem:s22+$0xFFFFFFC0];
	v16 =	vmul.f32 v16, v16;
	v4 =	vimm.f32 $0.0e+00;
	v3 =	vsel vm0, v18, v2;
	v6, _, _ =	vpop (xrf2)  }
.LBB2_16:
0x1d9: {  	p1 =	sne.s32 s23, $0xF;
	v17 =	vld [tilespmem:s21+$0xFFFFFFD0];
	v10 =	vadd.f32 v10, v12;
	v12 =	vadd.f32 v14, v13;
	v18 =	vmul.f32 v5, v7  }
0x1da: {  	v8 =	vmul.f32 v8, v8;
	v7 =	vmul.f32 v7, v7;
	v14 =	vld [tilespmem:s22+$0xFFFFFFD0];
	v15 =	vadd.f32 v16, v15  }
0x1db: {  	v5 =	vmul.f32 v5, v5;
	v6 =	vbroadcast v6, $0xF;
	v16 =	vld [tilespmem:s21+$0xFFFFFFE0];
	v12 =	vadd.f32 v18, v12;
	v13, _, _ =	vpop (xrf2)  }
0x1dc: {  	v8 =	vadd.f32 v8, v10;
	v18 =	vmul.f32 v9, v9;
	v19 =	vld [tilespmem:s22+$0xFFFFFFE0];
	v7 =	vadd.f32 v7, v15  }
0x1dd: {  	v2 =	vsel vm0, v6, v2;
	v9 =	vmul.f32 v11, v9;
	v10 =	vmul.f32 v11, v11;
	v11 =	vld [tilespmem:s21+$0xFFFFFFF0];
	(xrf2) =	vadd.scan.msk.f32 $0xffff, v12  }
0x1de: {  	v5 =	vadd.f32 v5, v8;
	v8 =	vbroadcast v13, $0xF;
	v6 =	vmul.f32 v17, v17;
	v12 =	vld [tilespmem:s22+$0xFFFFFFF0]  }
0x1df: {  	v9 =	vadd.f32 $0.0e+00, v9;
	v13 =	vmul.f32 v14, v17;
	v14 =	vmul.f32 v14, v14;
	v15 =	vld [tilespmem:s21+$0x0]  }
0x1e0: {  	v4 =	vsel vm0, v8, v4;
	v6 =	vadd.f32 v6, v18;
	v17 =	vmul.f32 v16, v16;
	v18 =	vld [tilespmem:s22+$0x0];
	(xrf2) =	vadd.scan.msk.f32 $0xffff, v7  }
0x1e1: {  	v7 =	vadd.f32 v13, v9;
	v8 =	vadd.f32 v14, v10;
	v9 =	vmul.f32 v19, v16;
	v10 =	vld [tilespmem:s21+$0x10]  }
0x1e2: {  	v13 =	vmul.f32 v19, v19;
	v6 =	vadd.f32 v17, v6;
	v14 =	vmul.f32 v11, v11;
	v16 =	vld [tilespmem:s22+$0x10]  }
0x1e3: {  	v7 =	vadd.f32 v9, v7;
	v9 =	vmul.f32 v12, v11;
	v11 =	vmul.f32 v12, v12;
	v17 =	vld [tilespmem:s21+$0x20];
	(xrf2) =	vadd.scan.msk.f32 $0xffff, v5  }
0x1e4: {  	v5 =	vadd.f32 v13, v8;
	v6 =	vadd.f32 v14, v6;
	v12 =	vmul.f32 v15, v15;
	v8 =	vld [tilespmem:s22+$0x20]  }
0x1e5: {  	v19 =	vadd.f32 v9, v7;
	v13 =	vmul.f32 v18, v15;
	v14 =	vmul.f32 v18, v18;
	v7 =	vld [tilespmem:s21+$0x30]  }
.Ltmp8:
0x1e6: {  	v11 =	vadd.f32 v11, v5;
	v6 =	vadd.f32 v12, v6;
	v15 =	vmul.f32 v10, v10;
	v5 =	vld [tilespmem:s22+$0x30];
	(pc) =	sbr.rel @p1 .LBB2_16-.Ltmp8, $4  }
0x1e7: {  	v13 =	vadd.f32 v13, v19;
	v18 =	vmul.f32 v16, v10;
	v10 =	vmul.f32 v16, v16;
	v9, _, _ =	vpop (xrf2)  }
0x1e8: {  	s21 =	sadd.s32 $0x80, s21;
	v12 =	vadd.f32 v14, v11;
	v11 =	vmov s20;
	s20 =	smov.u32 s19;
	s19 =	smov.u32 s23;
	v19 =	vbroadcast v9, $0xF  }
0x1e9: {  	s22 =	sadd.s32 $0x80, s22;
	vm0 =	veq.s32 v11, v0;
	v9 =	vld [tilespmem:s21+$0xFFFFFFC0];
	v13 =	vadd.f32 v18, v13;
	v14 =	vmul.f32 v8, v17  }
0x1ea: {  	s23 =	sadd.s32 $0x1, s23;
	v15 =	vadd.f32 v15, v6;
	v16 =	vmul.f32 v17, v17;
	v11 =	vld [tilespmem:s22+$0xFFFFFFC0];
	v3 =	vsel vm0, v19, v3;
	v6, _, _ =	vpop (xrf2)  }
0x1eb: {  	v17 =	vld [tilespmem:s21+$0xFFFFFFD0]  }
0x1ec: {  	v18 =	vld [tilespmem:s22+$0xFFFFFFD0]  }
0x1ed: {  	v55 =	vld [tilespmem:s21+$0xFFFFFFE0]  }
0x1ee: {  	v56 =	vmul.f32 v5, v7;
	v19 =	vld [tilespmem:s22+$0xFFFFFFE0]  }
0x1ef: {  	v13 =	vadd.f32 v14, v13;
	v8 =	vmul.f32 v8, v8;
	v20 =	vld [tilespmem:s21+$0xFFFFFFF0];
	v28 =	vmul.f32 v7, v7  }
0x1f0: {  	v10 =	vadd.f32 v10, v12;
	v21 =	vld [tilespmem:s22+$0xFFFFFFF0];
	v40 =	vmul.f32 v5, v5;
	v58 =	vmul.f32 v11, v9  }
0x1f1: {  	v22 =	vld [tilespmem:s21+$0x0];
	v15 =	vadd.f32 v16, v15;
	v13 =	vadd.f32 v56, v13;
	v57 =	vmul.f32 v9, v9  }
0x1f2: {  	v63 =	vld [tilespmem:s22+$0x0];
	v60 =	vmul.f32 v17, v17;
	v17 =	vmul.f32 v18, v17;
	v9 =	vadd.f32 $0.0e+00, v58  }
0x1f3: {  	v24 =	vld [tilespmem:s21+$0x10];
	v8 =	vadd.f32 v8, v10;
	v7 =	vadd.f32 v28, v15;
	v59 =	vmul.f32 v11, v11  }
0x1f4: {  	v27 =	vld [tilespmem:s22+$0x10];
	v18 =	vmul.f32 v18, v18;
	v12 =	vmul.f32 v19, v55;
	v9 =	vadd.f32 v17, v9  }
0x1f5: {  	v30 =	vld [tilespmem:s21+$0x20];
	v62 =	vmul.f32 v55, v55;
	v25 =	vmul.f32 v19, v19;
	v61 =	vadd.f32 v60, v57  }
0x1f6: {  	v31 =	vld [tilespmem:s22+$0x20];
	v29 =	vmul.f32 v21, v20;
	v11 =	vadd.f32 v18, v59;
	v9 =	vadd.f32 v12, v9  }
0x1f7: {  	v34 =	vld [tilespmem:s21+$0x30];
	v26 =	vmul.f32 v20, v20;
	v21 =	vmul.f32 v21, v21;
	v10 =	vadd.f32 v62, v61  }
0x1f8: {  	v36 =	vld [tilespmem:s22+$0x30];
	v33 =	vmul.f32 v63, v22;
	v11 =	vadd.f32 v25, v11;
	v9 =	vadd.f32 v29, v9  }
0x1f9: {  	v32 =	vmul.f32 v22, v22;
	v35 =	vmul.f32 v63, v63;
	v10 =	vadd.f32 v26, v10  }
0x1fa: {  	v37 =	vmul.f32 v27, v24;
	v11 =	vadd.f32 v21, v11;
	v9 =	vadd.f32 v33, v9  }
0x1fb: {  	v38 =	vmul.f32 v24, v24;
	v39 =	vmul.f32 v27, v27;
	v10 =	vadd.f32 v32, v10  }
0x1fc: {  	v41 =	vmul.f32 v31, v30;
	v11 =	vadd.f32 v35, v11;
	v9 =	vadd.f32 v37, v9  }
0x1fd: {  	v42 =	vmul.f32 v30, v30;
	v43 =	vmul.f32 v36, v34;
	v10 =	vadd.f32 v38, v10  }
0x1fe: {  	v14 =	vmul.f32 v31, v31;
	v11 =	vadd.f32 v39, v11;
	v9 =	vadd.f32 v41, v9  }
0x1ff: {  	(xrf2) =	vadd.scan.msk.f32 $0xffff, v13;
	v5 =	vadd.f32 v40, v8;
	v45 =	vmul.f32 v34, v34;
	v44 =	vadd.f32 v42, v10  }
0x200: {  	(xrf2) =	vadd.scan.msk.f32 $0xffff, v7;
	v47 =	vmul.f32 v36, v36;
	v11 =	vadd.f32 v14, v11;
	v46 =	vadd.f32 v43, v9  }
0x201: {  	(xrf2) =	vadd.scan.msk.f32 $0xffff, v5;
	v48 =	vadd.f32 v45, v44  }
0x202: {  	v49 =	vadd.f32 v47, v11;
	(xrf2) =	vadd.scan.msk.f32 $0xffff, v46  }
0x203: {  	(xrf2) =	vadd.scan.msk.f32 $0xffff, v48  }
0x204: {  	(xrf2) =	vadd.scan.msk.f32 $0xffff, v49;
	_ =	sdelay $0x3  }
0x205: {  	v50, _, _ =	vpop (xrf2)  }
0x206: {  	v51, _, _ =	vpop (xrf2)  }
0x207: {  	v52, _, _ =	vpop (xrf2)  }
0x208: {  	v6 =	vbroadcast v6, $0xF;
	v53, _, _ =	vpop (xrf2)  }
0x209: {  	v55 =	vmov s20;
	v54, _, _ =	vpop (xrf2)  }
0x20a: {  	v2 =	vsel vm0, v6, v2;
	v5 =	vbroadcast v50, $0xF;
	vm15 =	veq.s32 v55, v0;
	v56, _, _ =	vpop (xrf2)  }
0x20b: {  	v60 =	vmov s19;
	v57 =	vbroadcast v52, $0xF;
	v58 =	vbroadcast v53, $0xF;
	v59, _, _ =	vpop (xrf2)  }
0x20c: {  	v4 =	vsel vm0, v5, v4;
	v6 =	vbroadcast v56, $0xF;
	v9 =	vbroadcast v59, $0xF  }
0x20d: {  	vm1 =	veq.s32 v60, v0;
	v2 =	vsel vm15, v57, v2;
	v4 =	vsel vm15, v58, v4  }
0x20e: {  	v2 =	vsel vm1, v6, v2;
	v4 =	vsel vm1, v9, v4  }
0x20f: {  	v2 =	vmul.f32 v4, v2;
	_ =	sdelay $0x1  }
0x210: {  	v4 =	vshrl.u32 v2, $0x1;
	v2 =	vmul.f32 $5.000000000e-01, v2  }
0x211: {  	v4 =	vsub.s32 $0x5F3759DF, v4  }
0x212: {  	v61 =	vmul.f32 v4, v2;
	_ =	sdelay $0x1  }
0x213: {  	v5 =	vmul.f32 v4, v61;
	_ =	sdelay $0x1  }
0x214: {  	v5 =	vsub.f32 $1.500000000e+00, v5;
	_ =	sdelay $0x1  }
0x215: {  	v4 =	vmul.f32 v4, v5;
	_ =	sdelay $0x1  }
0x216: {  	v5 =	vmul.f32 v4, v2;
	_ =	sdelay $0x1  }
0x217: {  	v5 =	vmul.f32 v5, v4;
	_ =	sdelay $0x1  }
0x218: {  	v5 =	vsub.f32 $1.500000000e+00, v5;
	_ =	sdelay $0x1  }
0x219: {  	v4 =	vmul.f32 v5, v4;
	_ =	sdelay $0x1  }
0x21a: {  	v2 =	vmul.f32 v4, v2;
	_ =	sdelay $0x1  }
0x21b: {  	v2 =	vmul.f32 v2, v4;
	_ =	sdelay $0x1  }
0x21c: {  	s18 =	sadd.s32 $0x1, s18;
	v62 =	vbroadcast v51, $0xF;
	v2 =	vsub.f32 $1.500000000e+00, v2  }
0x21d: {  	p1 =	sne.s32 s18, $0x5;
	v63 =	vbroadcast v54, $0xF  }
.Ltmp9:
0x21e: {  	v3 =	vsel vm15, v62, v3;
	v2 =	vmul.f32 v2, v4;
	(pc) =	sbr.rel @p1 .LBB2_15-.Ltmp9, $3  }
0x21f: {  	v3 =	vsel vm1, v63, v3  }
0x220: {  	v2 =	vmul.f32 v2, v3;
	_ =	sdelay $0x1  }
0x221: {  	s16 =	sadd.s32 $0x800, s16;
	s17 =	sadd.s32 $0x800, s17;
	v1 =	vadd.f32 v2, v1  }
0x222: {  	s15 =	sadd.s32 @!p0 $0x280, s14;
	s16 =	simm.s32 @!p0 $0x50;
	s17 =	simm.s32 @!p0 $0xAA00  }
0x223: {  	[tilespmem:s17], [sflag:$0x4] =	stream.indirect.gather @!p0 [hbm4b:s2+s16], $0x80, s15, s16, $0xb8;
	[tilespmem:$0x1C280] =	vst v63  }
0x224: {  	s14 =	sadd.s32 @!p0 $0x1B80, s14;
	s15 =	simm.s32 @!p0 $0x17200  }
0x225: {  	[tilespmem:s15], [sflag:$0x4] =	stream.indirect.gather @!p0 [hbm4b:s2+s16], $0x80, s14, s16, $0xb8;
	[tilespmem:$0x1C280] =	vst v63  }
0x226: {  	_ =	swait.ge [sflag:s0], $0x2800  }
0x227: {  	[sflag:s0] =	ssyncset.done $0x0  }
0x228: {  	[sflag:s0] =	ssyncadd.s32 $0xFFFFD800  }
0x229: {  	_ =	swait.ge [sflag:s0], $0x2800  }
0x22a: {  	s17 =	simm.s32 $0x0;
	s14 =	simm.s32 $0x0;
	[sflag:s0] =	ssyncset.done $0x0  }
0x22b: {  	s15 =	simm.s32 $0xD240;
	s16 =	simm.s32 $0x19A40;
	[sflag:s0] =	ssyncadd.s32 $0xFFFFD800  }
.LBB2_19:
0x22c: {  	v2 =	vld [tilespmem:s15+$0xFFFFFFC0]  }
0x22d: {  	v3 =	vld [tilespmem:s16+$0xFFFFFFC0]  }
0x22e: {  	v4 =	vld [tilespmem:s15+$0xFFFFFFD0]  }
0x22f: {  	v5 =	vld [tilespmem:s16+$0xFFFFFFD0]  }
0x230: {  	v6 =	vld [tilespmem:s15+$0xFFFFFFE0]  }
0x231: {  	v7 =	vld [tilespmem:s16+$0xFFFFFFE0]  }
0x232: {  	v9 =	vld [tilespmem:s15+$0xFFFFFFF0];
	v8 =	vmul.f32 v3, v2  }
0x233: {  	v10 =	vld [tilespmem:s16+$0xFFFFFFF0]  }
0x234: {  	v12 =	vld [tilespmem:s15+$0x0];
	v11 =	vmul.f32 v5, v4;
	v8 =	vadd.f32 $0.0e+00, v8  }
0x235: {  	v13 =	vld [tilespmem:s16+$0x0];
	v2 =	vmul.f32 v2, v2;
	v4 =	vmul.f32 v4, v4  }
0x236: {  	v14 =	vld [tilespmem:s15+$0x10];
	v8 =	vadd.f32 v11, v8;
	v11 =	vmul.f32 v7, v6  }
0x237: {  	v3 =	vmul.f32 v3, v3;
	v2 =	vadd.f32 v4, v2;
	v4 =	vmul.f32 v6, v6;
	v6 =	vld [tilespmem:s16+$0x10]  }
0x238: {  	v15 =	vld [tilespmem:s15+$0x20];
	v5 =	vmul.f32 v5, v5;
	v8 =	vadd.f32 v11, v8;
	v11 =	vmul.f32 v10, v9  }
0x239: {  	v2 =	vadd.f32 v4, v2;
	v4 =	vmul.f32 v9, v9;
	v9 =	vld [tilespmem:s16+$0x20]  }
0x23a: {  	v3 =	vadd.f32 v5, v3;
	v5 =	vadd.f32 v11, v8;
	v8 =	vmul.f32 v13, v12;
	v11 =	vld [tilespmem:s15+$0x30]  }
0x23b: {  	v2 =	vadd.f32 v4, v2;
	v4 =	vmul.f32 v12, v12;
	v12 =	vld [tilespmem:s16+$0x30]  }
0x23c: {  	v5 =	vadd.f32 v8, v5;
	v8 =	vmul.f32 v6, v14  }
0x23d: {  	v7 =	vmul.f32 v7, v7  }
0x23e: {  	v5 =	vadd.f32 v8, v5;
	v8 =	vmul.f32 v9, v15  }
0x23f: {  	v10 =	vmul.f32 v10, v10;
	v3 =	vadd.f32 v7, v3  }
0x240: {  	s19 =	sadd.s32 $0x80, s15;
	v2 =	vadd.f32 v4, v2;
	v5 =	vadd.f32 v8, v5;
	v8 =	vmul.f32 v12, v11  }
0x241: {  	s18 =	sadd.s32 $0x80, s16;
	v7 =	vld [tilespmem:s19+$0xFFFFFFC0];
	v4 =	vmul.f32 v14, v14;
	v13 =	vmul.f32 v13, v13;
	v3 =	vadd.f32 v10, v3  }
0x242: {  	v10 =	vmul.f32 v15, v15;
	v14 =	vld [tilespmem:s18+$0xFFFFFFC0];
	v5 =	vadd.f32 v8, v5  }
0x243: {  	v4 =	vadd.f32 v4, v2;
	v6 =	vmul.f32 v6, v6;
	v3 =	vadd.f32 v13, v3;
	v15 =	vld [tilespmem:s19+$0xFFFFFFD0]  }
0x244: {  	v16 =	vld [tilespmem:s18+$0xFFFFFFD0];
	(xrf2) =	vadd.scan.msk.f32 $0xffff, v5  }
0x245: {  	v4 =	vadd.f32 v10, v4;
	v10 =	vld [tilespmem:s19+$0xFFFFFFE0];
	v9 =	vmul.f32 v9, v9;
	v3 =	vadd.f32 v6, v3  }
0x246: {  	v6 =	vmul.f32 v7, v7;
	v11 =	vmul.f32 v11, v11;
	v8 =	vld [tilespmem:s18+$0xFFFFFFE0]  }
0x247: {  	v13 =	vld [tilespmem:s19+$0xFFFFFFF0];
	v3 =	vadd.f32 v9, v3;
	v12 =	vmul.f32 v12, v12;
	v7 =	vmul.f32 v14, v7  }
0x248: {  	v4 =	vadd.f32 v11, v4;
	v11 =	vmul.f32 v14, v14;
	v14 =	vld [tilespmem:s18+$0xFFFFFFF0];
	v5 =	vmul.f32 v15, v15  }
0x249: {  	v17 =	vld [tilespmem:s19+$0x0];
	v7 =	vadd.f32 $0.0e+00, v7;
	v15 =	vmul.f32 v16, v15;
	v16 =	vmul.f32 v16, v16  }
0x24a: {  	v9 =	vld [tilespmem:s18+$0x0];
	v3 =	vadd.f32 v12, v3;
	v5 =	vadd.f32 v5, v6;
	v6 =	vmul.f32 v10, v10  }
0x24b: {  	(xrf2) =	vadd.scan.msk.f32 $0xffff, v4;
	v4 =	vadd.f32 v15, v7;
	v7 =	vadd.f32 v16, v11;
	v11 =	vld [tilespmem:s19+$0x10];
	v10 =	vmul.f32 v8, v10  }
0x24c: {  	v15 =	vld [tilespmem:s18+$0x10];
	v5 =	vadd.f32 v6, v5;
	v6 =	vmul.f32 v8, v8;
	v8 =	vmul.f32 v13, v13  }
0x24d: {  	v4 =	vadd.f32 v10, v4;
	v10 =	vmul.f32 v14, v13;
	v13 =	vmul.f32 v14, v14  }
0x24e: {  	v16 =	vld [tilespmem:s19+$0x20];
	v6 =	vadd.f32 v6, v7;
	v5 =	vadd.f32 v8, v5;
	v7 =	vmul.f32 v17, v17;
	v14, _, _ =	vpop (xrf2);
	(xrf2) =	vadd.scan.msk.f32 $0xffff, v3  }
0x24f: {  	v8 =	vld [tilespmem:s18+$0x20];
	v4 =	vadd.f32 v10, v4;
	v10 =	vmul.f32 v9, v17  }
0x250: {  	v9 =	vmul.f32 v9, v9;
	v6 =	vadd.f32 v13, v6;
	v17 =	vadd.f32 v7, v5;
	v7 =	vld [tilespmem:s19+$0x30]  }
0x251: {  	v2 =	vimm.f32 $0.0e+00;
	v13 =	vmul.f32 v15, v11;
	v11 =	vmul.f32 v11, v11;
	v5 =	vld [tilespmem:s18+$0x30]  }
0x252: {  	v4 =	vadd.f32 v10, v4;
	v12 =	vadd.f32 v9, v6;
	v6 =	vmov s14  }
0x253: {  	s20 =	sadd.s32 $0x80, s19;
	v10 =	vmul.f32 v15, v15;
	v15 =	vadd.f32 v11, v17;
	v18 =	vbroadcast v14, $0xF  }
0x254: {  	s21 =	sadd.s32 $0x80, s18;
	v9 =	vld [tilespmem:s20+$0xFFFFFFC0];
	v13 =	vadd.f32 v13, v4;
	v14 =	vmul.f32 v8, v16;
	vm0 =	veq.s32 v6, v0  }
0x255: {  	s22 =	simm.s32 $0x3;
	s19 =	simm.s32 $0x1;
	s18 =	simm.s32 $0x2;
	v11 =	vld [tilespmem:s21+$0xFFFFFFC0];
	v16 =	vmul.f32 v16, v16;
	v4 =	vimm.f32 $0.0e+00;
	v3 =	vsel vm0, v18, v2;
	v6, _, _ =	vpop (xrf2)  }
.LBB2_20:
0x256: {  	p1 =	sne.s32 s22, $0xF;
	v17 =	vld [tilespmem:s20+$0xFFFFFFD0];
	v10 =	vadd.f32 v10, v12;
	v12 =	vadd.f32 v14, v13;
	v18 =	vmul.f32 v5, v7  }
0x257: {  	v8 =	vmul.f32 v8, v8;
	v7 =	vmul.f32 v7, v7;
	v14 =	vld [tilespmem:s21+$0xFFFFFFD0];
	v15 =	vadd.f32 v16, v15  }
0x258: {  	v5 =	vmul.f32 v5, v5;
	v6 =	vbroadcast v6, $0xF;
	v16 =	vld [tilespmem:s20+$0xFFFFFFE0];
	v12 =	vadd.f32 v18, v12;
	v13, _, _ =	vpop (xrf2)  }
0x259: {  	v8 =	vadd.f32 v8, v10;
	v18 =	vmul.f32 v9, v9;
	v19 =	vld [tilespmem:s21+$0xFFFFFFE0];
	v7 =	vadd.f32 v7, v15  }
0x25a: {  	v2 =	vsel vm0, v6, v2;
	v9 =	vmul.f32 v11, v9;
	v10 =	vmul.f32 v11, v11;
	v11 =	vld [tilespmem:s20+$0xFFFFFFF0];
	(xrf2) =	vadd.scan.msk.f32 $0xffff, v12  }
0x25b: {  	v5 =	vadd.f32 v5, v8;
	v8 =	vbroadcast v13, $0xF;
	v6 =	vmul.f32 v17, v17;
	v12 =	vld [tilespmem:s21+$0xFFFFFFF0]  }
0x25c: {  	v9 =	vadd.f32 $0.0e+00, v9;
	v13 =	vmul.f32 v14, v17;
	v14 =	vmul.f32 v14, v14;
	v15 =	vld [tilespmem:s20+$0x0]  }
0x25d: {  	v4 =	vsel vm0, v8, v4;
	v6 =	vadd.f32 v6, v18;
	v17 =	vmul.f32 v16, v16;
	v18 =	vld [tilespmem:s21+$0x0];
	(xrf2) =	vadd.scan.msk.f32 $0xffff, v7  }
0x25e: {  	v7 =	vadd.f32 v13, v9;
	v8 =	vadd.f32 v14, v10;
	v9 =	vmul.f32 v19, v16;
	v10 =	vld [tilespmem:s20+$0x10]  }
0x25f: {  	v13 =	vmul.f32 v19, v19;
	v6 =	vadd.f32 v17, v6;
	v14 =	vmul.f32 v11, v11;
	v16 =	vld [tilespmem:s21+$0x10]  }
0x260: {  	v7 =	vadd.f32 v9, v7;
	v9 =	vmul.f32 v12, v11;
	v11 =	vmul.f32 v12, v12;
	v17 =	vld [tilespmem:s20+$0x20];
	(xrf2) =	vadd.scan.msk.f32 $0xffff, v5  }
0x261: {  	v5 =	vadd.f32 v13, v8;
	v6 =	vadd.f32 v14, v6;
	v12 =	vmul.f32 v15, v15;
	v8 =	vld [tilespmem:s21+$0x20]  }
0x262: {  	v19 =	vadd.f32 v9, v7;
	v13 =	vmul.f32 v18, v15;
	v14 =	vmul.f32 v18, v18;
	v7 =	vld [tilespmem:s20+$0x30]  }
.Ltmp10:
0x263: {  	v11 =	vadd.f32 v11, v5;
	v6 =	vadd.f32 v12, v6;
	v15 =	vmul.f32 v10, v10;
	v5 =	vld [tilespmem:s21+$0x30];
	(pc) =	sbr.rel @p1 .LBB2_20-.Ltmp10, $4  }
0x264: {  	v13 =	vadd.f32 v13, v19;
	v18 =	vmul.f32 v16, v10;
	v10 =	vmul.f32 v16, v16;
	v9, _, _ =	vpop (xrf2)  }
0x265: {  	s20 =	sadd.s32 $0x80, s20;
	v12 =	vadd.f32 v14, v11;
	v11 =	vmov s19;
	s19 =	smov.u32 s18;
	s18 =	smov.u32 s22;
	v19 =	vbroadcast v9, $0xF  }
0x266: {  	s21 =	sadd.s32 $0x80, s21;
	vm0 =	veq.s32 v11, v0;
	v9 =	vld [tilespmem:s20+$0xFFFFFFC0];
	v13 =	vadd.f32 v18, v13;
	v14 =	vmul.f32 v8, v17  }
0x267: {  	s22 =	sadd.s32 $0x1, s22;
	v15 =	vadd.f32 v15, v6;
	v16 =	vmul.f32 v17, v17;
	v11 =	vld [tilespmem:s21+$0xFFFFFFC0];
	v3 =	vsel vm0, v19, v3;
	v6, _, _ =	vpop (xrf2)  }
0x268: {  	v17 =	vld [tilespmem:s20+$0xFFFFFFD0]  }
0x269: {  	v18 =	vld [tilespmem:s21+$0xFFFFFFD0]  }
0x26a: {  	v55 =	vld [tilespmem:s20+$0xFFFFFFE0]  }
0x26b: {  	v56 =	vmul.f32 v5, v7;
	v19 =	vld [tilespmem:s21+$0xFFFFFFE0]  }
0x26c: {  	v13 =	vadd.f32 v14, v13;
	v8 =	vmul.f32 v8, v8;
	v20 =	vld [tilespmem:s20+$0xFFFFFFF0];
	v28 =	vmul.f32 v7, v7  }
0x26d: {  	v10 =	vadd.f32 v10, v12;
	v21 =	vld [tilespmem:s21+$0xFFFFFFF0];
	v40 =	vmul.f32 v5, v5;
	v58 =	vmul.f32 v11, v9  }
0x26e: {  	v22 =	vld [tilespmem:s20+$0x0];
	v15 =	vadd.f32 v16, v15;
	v13 =	vadd.f32 v56, v13;
	v57 =	vmul.f32 v9, v9  }
0x26f: {  	v63 =	vld [tilespmem:s21+$0x0];
	v60 =	vmul.f32 v17, v17;
	v17 =	vmul.f32 v18, v17;
	v9 =	vadd.f32 $0.0e+00, v58  }
0x270: {  	v24 =	vld [tilespmem:s20+$0x10];
	v8 =	vadd.f32 v8, v10;
	v7 =	vadd.f32 v28, v15;
	v59 =	vmul.f32 v11, v11  }
0x271: {  	v27 =	vld [tilespmem:s21+$0x10];
	v18 =	vmul.f32 v18, v18;
	v12 =	vmul.f32 v19, v55;
	v9 =	vadd.f32 v17, v9  }
0x272: {  	v30 =	vld [tilespmem:s20+$0x20];
	v62 =	vmul.f32 v55, v55;
	v25 =	vmul.f32 v19, v19;
	v61 =	vadd.f32 v60, v57  }
0x273: {  	v31 =	vld [tilespmem:s21+$0x20];
	v29 =	vmul.f32 v21, v20;
	v11 =	vadd.f32 v18, v59;
	v9 =	vadd.f32 v12, v9  }
0x274: {  	v34 =	vld [tilespmem:s20+$0x30];
	v26 =	vmul.f32 v20, v20;
	v21 =	vmul.f32 v21, v21;
	v10 =	vadd.f32 v62, v61  }
0x275: {  	v36 =	vld [tilespmem:s21+$0x30];
	v33 =	vmul.f32 v63, v22;
	v11 =	vadd.f32 v25, v11;
	v9 =	vadd.f32 v29, v9  }
0x276: {  	v32 =	vmul.f32 v22, v22;
	v35 =	vmul.f32 v63, v63;
	v10 =	vadd.f32 v26, v10  }
0x277: {  	v37 =	vmul.f32 v27, v24;
	v11 =	vadd.f32 v21, v11;
	v9 =	vadd.f32 v33, v9  }
0x278: {  	v38 =	vmul.f32 v24, v24;
	v39 =	vmul.f32 v27, v27;
	v10 =	vadd.f32 v32, v10  }
0x279: {  	v41 =	vmul.f32 v31, v30;
	v11 =	vadd.f32 v35, v11;
	v9 =	vadd.f32 v37, v9  }
0x27a: {  	v42 =	vmul.f32 v30, v30;
	v43 =	vmul.f32 v36, v34;
	v10 =	vadd.f32 v38, v10  }
0x27b: {  	v14 =	vmul.f32 v31, v31;
	v11 =	vadd.f32 v39, v11;
	v9 =	vadd.f32 v41, v9  }
0x27c: {  	(xrf2) =	vadd.scan.msk.f32 $0xffff, v13;
	v5 =	vadd.f32 v40, v8;
	v45 =	vmul.f32 v34, v34;
	v44 =	vadd.f32 v42, v10  }
0x27d: {  	(xrf2) =	vadd.scan.msk.f32 $0xffff, v7;
	v47 =	vmul.f32 v36, v36;
	v11 =	vadd.f32 v14, v11;
	v46 =	vadd.f32 v43, v9  }
0x27e: {  	(xrf2) =	vadd.scan.msk.f32 $0xffff, v5;
	v48 =	vadd.f32 v45, v44  }
0x27f: {  	v49 =	vadd.f32 v47, v11;
	(xrf2) =	vadd.scan.msk.f32 $0xffff, v46  }
0x280: {  	(xrf2) =	vadd.scan.msk.f32 $0xffff, v48  }
0x281: {  	(xrf2) =	vadd.scan.msk.f32 $0xffff, v49;
	_ =	sdelay $0x3  }
0x282: {  	v50, _, _ =	vpop (xrf2)  }
0x283: {  	v51, _, _ =	vpop (xrf2)  }
0x284: {  	v52, _, _ =	vpop (xrf2)  }
0x285: {  	v6 =	vbroadcast v6, $0xF;
	v53, _, _ =	vpop (xrf2)  }
0x286: {  	v55 =	vmov s19;
	v54, _, _ =	vpop (xrf2)  }
0x287: {  	v2 =	vsel vm0, v6, v2;
	v5 =	vbroadcast v50, $0xF;
	vm15 =	veq.s32 v55, v0;
	v56, _, _ =	vpop (xrf2)  }
0x288: {  	v60 =	vmov s18;
	v57 =	vbroadcast v52, $0xF;
	v58 =	vbroadcast v53, $0xF;
	v59, _, _ =	vpop (xrf2)  }
0x289: {  	v4 =	vsel vm0, v5, v4;
	v6 =	vbroadcast v56, $0xF;
	v9 =	vbroadcast v59, $0xF  }
0x28a: {  	vm1 =	veq.s32 v60, v0;
	v2 =	vsel vm15, v57, v2;
	v4 =	vsel vm15, v58, v4  }
0x28b: {  	v2 =	vsel vm1, v6, v2;
	v4 =	vsel vm1, v9, v4  }
0x28c: {  	v2 =	vmul.f32 v4, v2;
	_ =	sdelay $0x1  }
0x28d: {  	v4 =	vshrl.u32 v2, $0x1;
	v2 =	vmul.f32 $5.000000000e-01, v2  }
0x28e: {  	v4 =	vsub.s32 $0x5F3759DF, v4  }
0x28f: {  	v61 =	vmul.f32 v4, v2;
	_ =	sdelay $0x1  }
0x290: {  	v5 =	vmul.f32 v4, v61;
	_ =	sdelay $0x1  }
0x291: {  	v5 =	vsub.f32 $1.500000000e+00, v5;
	_ =	sdelay $0x1  }
0x292: {  	v4 =	vmul.f32 v4, v5;
	_ =	sdelay $0x1  }
0x293: {  	v5 =	vmul.f32 v4, v2;
	_ =	sdelay $0x1  }
0x294: {  	v5 =	vmul.f32 v5, v4;
	_ =	sdelay $0x1  }
0x295: {  	v5 =	vsub.f32 $1.500000000e+00, v5;
	_ =	sdelay $0x1  }
0x296: {  	v4 =	vmul.f32 v5, v4;
	_ =	sdelay $0x1  }
0x297: {  	v2 =	vmul.f32 v4, v2;
	_ =	sdelay $0x1  }
0x298: {  	v2 =	vmul.f32 v2, v4;
	_ =	sdelay $0x1  }
0x299: {  	s17 =	sadd.s32 $0x1, s17;
	v62 =	vbroadcast v51, $0xF;
	v2 =	vsub.f32 $1.500000000e+00, v2  }
0x29a: {  	p1 =	sne.s32 s17, $0x5;
	v63 =	vbroadcast v54, $0xF  }
.Ltmp11:
0x29b: {  	v3 =	vsel vm15, v62, v3;
	v2 =	vmul.f32 v2, v4;
	(pc) =	sbr.rel @p1 .LBB2_19-.Ltmp11, $3  }
0x29c: {  	v3 =	vsel vm1, v63, v3  }
0x29d: {  	v2 =	vmul.f32 v2, v3;
	_ =	sdelay $0x1  }
0x29e: {  	s15 =	sadd.s32 $0x800, s15;
	s16 =	sadd.s32 $0x800, s16;
	v1 =	vadd.f32 v2, v1  }
.Ltmp12:
0x29f: {  	(pc) =	sbr.rel @p0 .LBB2_24-.Ltmp12, $1  }
0x2a0: {  	_ =	sdelay $0x3  }
0x2a1: {  	s14 =	smul.u32 $0x190, s13  }
.Ltmp13:
0x2a2: {  	_ = 	snop;
	(pc) =	sbr.rel .LBB2_2-.Ltmp13, $4  }
0x2a3: {  	s15 =	sadd.s32 $0x2D0, s14  }
0x2a4: {  	[tilespmem:s25], [sflag:$0x5] =	stream.indirect.gather [hbm4b:s2+s10], $0x80, s15, s10, $0xb8;
	[tilespmem:$0x1C280] =	vst v63  }
0x2a5: {  	s13 =	sadd.s32 $0x1, s13;
	s14 =	sadd.s32 $0x1BD0, s14  }
0x2a6: {  	[tilespmem:s28], [sflag:$0x5] =	stream.indirect.gather [hbm4b:s2+s10], $0x80, s14, s10, $0xb8;
	[tilespmem:$0x1C280] =	vst v63  }
.LBB2_25:
0x2a7: {  	_ =	sfence.sel $0x180000  }
0x2a8: {  	[bflag:$0x0] =	sbarrier.arrive $0xFFFF  }
0x2a9: {  	_ =	strace $0x90000047  }
0x2aa: {  	s0 =	stileid.u32;
	[bflag:$0x2] =	sbarrier.arrive $0xFFFF  }
0x2ab: {  	p0 =	sne.s32 s0, $0x0;
	s0 =	rddreg [dreg:$0x2]  }
0x2ac: {  	s0 =	sadd.s32 @!p0 $0x100000, s0  }
0x2ad: {  	[sflag:s0] =	ssyncadd.tile.s32 @!p0 $0x1;
	_ =	shalt  }
.Lfunc_end2:
_tile_overlayer_lowered:
.L_overlay_start_2:
0x2ae: {  	(tag) =	ssettag $0x2  }
0x2af: {  	s0 =	rddreg [dreg:$0x0];
	s2 =	stileid.u32  }
0x2b0: {  	s1 =	rddreg [dreg:$0x1];
	p0 =	sne.s32 s2, $0x0  }
0x2b1: {  	s3 =	rddreg [dreg:$0x2];
	[bflag:$0x3] =	sbarrier.arrive $0xFFFF;
	s2 =	simm.s32 @!p0 $0x1C06  }
0x2b2: {  	[timem:s3], [sflag:s2] =	dma.local @!p0 [hbm:s0], s1  }
0x2b3: {  	s0 =	simm.s32 @!p0 $0x6  }
0x2b4: {  	_ =	swait.ge @!p0 [sflag:s0], s1  }
0x2b5: {  	s1 =	ssub.s32 @!p0 $0x0, s1;
	[sflag:s0] =	ssyncset.done @!p0 $0x0  }
0x2b6: {  	[sflag:s0] =	ssyncadd.s32 @!p0 s1  }
0x2b7: {  	[bflag:$0x3] =	sbarrier.arrive $0xFFFF  }
0x2b8: {  	_ =	shalt  }

</sc_bundles>
